<compile_context>
chip_gen: v7x
topology: tpu7x:2x2x1
jax: 0.10.2.dev20260603
libtpu: 0.0.44.dev20260713+nightly
codegen_flags: <defaults>
</compile_context>

<pallas_src>
import functools

import jax
import jax.numpy as jnp
from jax import lax
from jax.experimental import pallas as pl
from jax.experimental.pallas import tpu as pltpu
from jax.experimental.pallas import tpu_sc as plsc

_BUDGET = 2048
_SEQ = 8192
_R = 64


def _norms_body(k_ref, norms_ref, valid_ref, count_ref):
    i = pl.program_id(0)
    x = k_ref[...]
    sq = jnp.sum(x * x, axis=-1)
    nr = jnp.sqrt(sq)
    nm = jnp.mean(nr, axis=-1)
    nz = jnp.any(x != 0, axis=-1)
    vd = jnp.any(nz, axis=-1)
    norms_ref[...] = nm
    valid_ref[...] = vd.astype(jnp.float32)
    cnt = jnp.sum(vd.astype(jnp.int32))

    @pl.when(i == 0)
    def _():
        count_ref[0, 0] = 0
    count_ref[0, 0] += cnt


def _norms_pass(k4):
    return pl.pallas_call(
        _norms_body,
        grid=(8,),
        in_specs=[pl.BlockSpec((8, 128, 16, 128), lambda i: (i, 0, 0, 0))],
        out_specs=[
            pl.BlockSpec((8, 128), lambda i: (i, 0)),
            pl.BlockSpec((8, 128), lambda i: (i, 0)),
            pl.BlockSpec(memory_space=pltpu.SMEM),
        ],
        out_shape=[
            jax.ShapeDtypeStruct((_R, 128), jnp.float32),
            jax.ShapeDtypeStruct((_R, 128), jnp.float32),
            jax.ShapeDtypeStruct((1, 1), jnp.int32),
        ],
    )(k4)


def _select_body(al_ref, norms_ref, valid_ref, fi_ref, dest_s):
    al = al_ref[0]
    norms = norms_ref[...]
    valid = valid_ref[...]
    r_i = lax.broadcasted_iota(jnp.int32, (_R, 128), 0)
    c_i = lax.broadcasted_iota(jnp.int32, (_R, 128), 1)
    gidx = r_i * 128 + c_i
    inf = jnp.float32(jnp.inf)
    n2 = jnp.where(valid > 0, norms, inf)
    n2 = jnp.where(gidx == 0, -inf, n2)
    n2 = jnp.where(gidx == al - 1, -inf, n2)

    b = lax.bitcast_convert_type(n2, jnp.int32)
    ku = lax.bitcast_convert_type(n2, jnp.uint32)
    keys = jnp.where(b < 0, ~ku, ku | jnp.uint32(0x80000000))

    def bs_step(_, carry):
        lo, hi = carry
        mid = lo + ((hi - lo) >> 1)
        c = jnp.sum((keys <= mid).astype(jnp.int32))
        big = c >= _BUDGET
        return (jnp.where(big, lo, mid + 1), jnp.where(big, mid, hi))

    lo0 = jnp.uint32(0)
    hi0 = jnp.uint32(0xFFFFFFFF)
    lo, hi = lax.fori_loop(0, 32, bs_step, (lo0, hi0))
    T = lo
    c_lt = jnp.sum((keys < T).astype(jnp.int32))
    need = (_BUDGET - c_lt).astype(jnp.float32)
    eqm = (keys == T).astype(jnp.float32)
    ltm = (keys < T).astype(jnp.float32)

    cA = lax.broadcasted_iota(jnp.int32, (128, 128), 0)
    cB = lax.broadcasted_iota(jnp.int32, (128, 128), 1)
    M = (cA <= cB).astype(jnp.float32)
    rA = lax.broadcasted_iota(jnp.int32, (_R, _R), 0)
    rB = lax.broadcasted_iota(jnp.int32, (_R, _R), 1)
    S = (rB < rA).astype(jnp.float32)

    def excl_cumsum(x):
        cs_in = jax.lax.dot(x, M, preferred_element_type=jnp.float32)
        row_tot = jnp.sum(x, axis=1, keepdims=True)
        row_pre = jax.lax.dot(S, row_tot, preferred_element_type=jnp.float32)
        return cs_in - x + row_pre

    eq_pre = excl_cumsum(eqm)
    sel = jnp.maximum(ltm, eqm * (eq_pre < need).astype(jnp.float32))
    dest = excl_cumsum(sel)
    dest_s[...] = jnp.where(sel > 0, dest, jnp.float32(-1.0))

    pr = lax.broadcasted_iota(jnp.int32, (16, 128), 0)
    pc = lax.broadcasted_iota(jnp.int32, (16, 128), 1)
    P = (pr * 128 + pc).astype(jnp.float32)
    lane = lax.broadcasted_iota(jnp.int32, (1, 128), 1)

    def fi_step(rc, acc):
        d_row = dest_s[pl.ds(rc, 1), :]
        g_row = (rc * 128 + lane).astype(jnp.float32)
        hit = (d_row[:, None, :] == P[:, :, None])
        return acc + jnp.sum(hit.astype(jnp.float32) * g_row[:, None, :],
                             axis=-1)

    fi = lax.fori_loop(0, _R, fi_step, jnp.zeros((16, 128), jnp.float32))
    fi_ref[...] = fi.astype(jnp.int32)


def _select_pass(al, norms, valid):
    return pl.pallas_call(
        _select_body,
        in_specs=[
            pl.BlockSpec(memory_space=pltpu.SMEM),
            pl.BlockSpec((_R, 128), lambda: (0, 0)),
            pl.BlockSpec((_R, 128), lambda: (0, 0)),
        ],
        out_specs=pl.BlockSpec((16, 128), lambda: (0, 0)),
        out_shape=jax.ShapeDtypeStruct((16, 128), jnp.int32),
        scratch_shapes=[pltpu.VMEM((_R, 128), jnp.float32)],
    )(al, norms, valid)


_D = 2048
_NW = 32
_GPW = _BUDGET // _NW
_ZPW = (_SEQ - _BUDGET) // _NW
_GC = 16
_ZC = 16


def _gather_sc(fi, k3, v3, z16):
    mesh = plsc.VectorSubcoreMesh(core_axis_name="c", subcore_axis_name="s")
    H, DH = k3.shape[1], k3.shape[2]

    @functools.partial(
        pl.kernel,
        mesh=mesh,
        out_type=[
            jax.ShapeDtypeStruct((_SEQ, H, DH), jnp.float32),
            jax.ShapeDtypeStruct((_SEQ, H, DH), jnp.float32),
        ],
        scratch_types=[
            pltpu.VMEM((_GPW,), jnp.int32),
            pltpu.VMEM((_GC, H, DH), jnp.float32),
            pltpu.VMEM((_GC, H, DH), jnp.float32),
            pltpu.VMEM((_ZC, H, DH), jnp.float32),
            pltpu.SemaphoreType.DMA,
            pltpu.SemaphoreType.DMA,
            pltpu.SemaphoreType.DMA,
            pltpu.SemaphoreType.DMA,
            pltpu.SemaphoreType.DMA,
        ],
    )
    def body(fi_hbm, k_hbm, v_hbm, z_hbm, ko_hbm, vo_hbm,
             idx_v, ra, rb, zbuf, semz, sg0, sg1, ss0, ss1):
        wid = lax.axis_index("s") * 2 + lax.axis_index("c")
        gbase = wid * _GPW
        pltpu.sync_copy(fi_hbm.at[pl.ds(gbase, _GPW)], idx_v)
        pltpu.sync_copy(z_hbm, zbuf)
        zbase = _BUDGET + wid * _ZPW
        zcps = []
        for dst in (ko_hbm, vo_hbm):
            for t in range(_ZPW // _ZC):
                zcps.append(pltpu.async_copy(
                    zbuf, dst.at[pl.ds(zbase + t * _ZC, _ZC)], semz))
        bufs = (ra, rb)
        gsem = (sg0, sg1)
        ssem = (ss0, ss1)
        chunks = []
        for src, dst in ((k_hbm, ko_hbm), (v_hbm, vo_hbm)):
            for c in range(_GPW // _GC):
                chunks.append((src, dst, c * _GC))
        n = len(chunks)

        def start_gather(i):
            src, _, off = chunks[i]
            return pltpu.async_copy(
                src.at[idx_v.at[pl.ds(off, _GC)]],
                bufs[i % 2], gsem[i % 2])

        g = [None] * n
        s = [None] * n
        g[0] = start_gather(0)
        g[1] = start_gather(1)
        for i in range(n):
            _, dst, off = chunks[i]
            g[i].wait()
            s[i] = pltpu.async_copy(
                bufs[i % 2], dst.at[pl.ds(gbase + off, _GC)], ssem[i % 2])
            if i + 2 < n:
                s[i].wait()
                g[i + 2] = start_gather(i + 2)
        s[n - 2].wait()
        s[n - 1].wait()
        for cp in zcps:
            cp.wait()

    return body(fi, k3, v3, z16)


def kernel(q, k, v):
    seq = k.shape[0]
    k4 = k.reshape(_R, 128, 16, 128)
    norms, valid, al2 = _norms_pass(k4)
    al = al2.reshape((1,))
    actual_len = al[0]

    def do_compress():
        fi2 = _select_pass(al, norms, valid)
        fi = fi2.reshape(_BUDGET)
        z16 = jnp.zeros((_ZC,) + k.shape[1:], jnp.float32)
        kp, vp = _gather_sc(fi, k, v, z16)
        return (kp, vp, jnp.array(_BUDGET, jnp.int32),
                actual_len.astype(jnp.int32))

    def do_nothing():
        return (k, v, actual_len.astype(jnp.int32),
                actual_len.astype(jnp.int32))

    return lax.cond(actual_len > _BUDGET, do_compress, do_nothing)

# --- scband reference (transcript-rebuilt; emitter-appended) ---
"""Pipeline reference for scband-knorm-compressor-35115652612333 (READ-ONLY COPY).

The authoritative reference and input builder live on the scoring server;
editing this copy changes nothing except your own understanding.
"""

import jax, jax.numpy as jnp
import numpy as np

BUDGET = 2048
PROTECT_SOR = True


def setup_inputs(seed: int = 0) -> dict:
    key = jax.random.key(seed)
    kq, kk, kv = jax.random.split(key, 3)
    q = jax.random.normal(kq, (8192, 16, 128), dtype=jnp.float32)
    k = jax.random.normal(kk, (8192, 16, 128), dtype=jnp.float32)
    v = jax.random.normal(kv, (8192, 16, 128), dtype=jnp.float32)
    return {"q": q, "k": k, "v": v}


def reference(q, k, v):
    budget = BUDGET
    protect_sor = PROTECT_SOR
    seq_len = k.shape[0]
    is_valid = jnp.any(k != 0, axis=(1, 2))
    actual_len = jnp.sum(is_valid)

    def do_compress():
        norms = jnp.mean(jnp.linalg.norm(k, axis=-1), axis=1)
        is_pad = jnp.logical_not(is_valid)
        sor_idx = actual_len - 1
        norms2 = jnp.where(is_pad, jnp.inf, norms)
        norms2 = norms2.at[0].set(-jnp.inf)
        norms2 = jnp.where(protect_sor, norms2.at[sor_idx].set(-jnp.inf), norms2)
        _, top_indices = jax.lax.top_k(-norms2, budget)
        final_indices = jnp.sort(top_indices)
        comp_k = k[final_indices]
        comp_v = v[final_indices]
        k_padded = jnp.zeros_like(k).at[:budget].set(comp_k)
        v_padded = jnp.zeros_like(v).at[:budget].set(comp_v)
        return (k_padded, v_padded, jnp.array(budget, dtype=jnp.int32), actual_len.astype(jnp.int32))

    def do_nothing():
        return (k, v, actual_len.astype(jnp.int32), actual_len.astype(jnp.int32))

    return jax.lax.cond(actual_len > budget, do_compress, do_nothing)

if __name__ == "__main__":
    import jax
    _d = setup_inputs()
    print(jax.jit(kernel)(*tuple(_d.values())))

</pallas_src>

<mosaic_0001>
#map = affine_map<(d0, d1) -> (0)>
#map1 = affine_map<(d0, d1) -> (0, 0, 0)>
module attributes {stable_mosaic.version = 14 : i64} {
  func.func @body(%arg0: i32, %arg1: i32, %arg2: memref<2048xi32, #tpu.memory_space<hbm>>, %arg3: memref<8192x16x128xf32, #tpu.memory_space<hbm>>, %arg4: memref<8192x16x128xf32, #tpu.memory_space<hbm>>, %arg5: memref<16x16x128xf32, #tpu.memory_space<hbm>>, %arg6: memref<8192x16x128xf32, #tpu.memory_space<hbm>>, %arg7: memref<8192x16x128xf32, #tpu.memory_space<hbm>>, %arg8: memref<64xi32, #tpu.memory_space<vmem>>, %arg9: memref<16x16x128xf32, #tpu.memory_space<vmem>>, %arg10: memref<16x16x128xf32, #tpu.memory_space<vmem>>, %arg11: memref<16x16x128xf32, #tpu.memory_space<vmem>>, %arg12: memref<!tpu.dma_semaphore, #tpu.memory_space<semaphore_mem>>, %arg13: memref<!tpu.dma_semaphore, #tpu.memory_space<semaphore_mem>>, %arg14: memref<!tpu.dma_semaphore, #tpu.memory_space<semaphore_mem>>, %arg15: memref<!tpu.dma_semaphore, #tpu.memory_space<semaphore_mem>>, %arg16: memref<!tpu.dma_semaphore, #tpu.memory_space<semaphore_mem>>) attributes {dimension_semantics = [#tpu.dimension_semantics<core_parallel>, #tpu.dimension_semantics<subcore_parallel>], iteration_bounds = array<i64: 2, 16>, scalar_prefetch = 0 : i64, scratch_operands = 9 : i64, tpu.core_type = #tpu.core_type<sc_vector_subcore>, window_params = [{transform_indices = #map}, {transform_indices = #map1}, {transform_indices = #map1}, {transform_indices = #map1}, {transform_indices = #map1}, {transform_indices = #map1}]} {
    %mul3A = arith.constant 2 : i32
    %mul3A_0 = arith.muli %arg1, %mul3A : i32
    %add3A = arith.addi %mul3A_0, %arg0 : i32
    %mul3A_1 = arith.constant 64 : i32
    %mul3A_2 = arith.muli %add3A, %mul3A_1 : i32
    "tpu.region"() ({
      %run_scoped3A = tpu.sem_alloc : memref<!tpu.dma_semaphore, #tpu.memory_space<semaphore_mem>>
      %dma_start3A_549 = tpu.memref_slice %arg2[%mul3A_2] : memref<2048xi32, #tpu.memory_space<hbm>> -> memref<64xi32, #tpu.memory_space<hbm>>
      %dma_start3A_550 = tpu.memref_slice %arg2[%mul3A_2] : memref<2048xi32, #tpu.memory_space<hbm>> -> memref<64xi32, #tpu.memory_space<hbm>>
      tpu.enqueue_dma source(%dma_start3A_550 : memref<64xi32, #tpu.memory_space<hbm>>) target(%arg8 : memref<64xi32, #tpu.memory_space<vmem>>) target_semaphore(%run_scoped3A : memref<!tpu.dma_semaphore, #tpu.memory_space<semaphore_mem>>)
      %dma_wait3A_551 = tpu.memref_slice %arg2[%mul3A_2] : memref<2048xi32, #tpu.memory_space<hbm>> -> memref<64xi32, #tpu.memory_space<hbm>>
      %dma_wait3A_552 = tpu.memref_slice %arg2[%mul3A_2] : memref<2048xi32, #tpu.memory_space<hbm>> -> memref<64xi32, #tpu.memory_space<hbm>>
      tpu.wait_dma2 semaphore(%run_scoped3A : memref<!tpu.dma_semaphore, #tpu.memory_space<semaphore_mem>>) src(%dma_wait3A_552 : memref<64xi32, #tpu.memory_space<hbm>>) dst(%arg8 : memref<64xi32, #tpu.memory_space<vmem>>)
      tpu.yield
    }) : () -> ()
    "tpu.region"() ({
      %run_scoped3A = tpu.sem_alloc : memref<!tpu.dma_semaphore, #tpu.memory_space<semaphore_mem>>
      tpu.enqueue_dma source(%arg5 : memref<16x16x128xf32, #tpu.memory_space<hbm>>) target(%arg11 : memref<16x16x128xf32, #tpu.memory_space<vmem>>) target_semaphore(%run_scoped3A : memref<!tpu.dma_semaphore, #tpu.memory_space<semaphore_mem>>)
      tpu.wait_dma2 semaphore(%run_scoped3A : memref<!tpu.dma_semaphore, #tpu.memory_space<semaphore_mem>>) src(%arg5 : memref<16x16x128xf32, #tpu.memory_space<hbm>>) dst(%arg11 : memref<16x16x128xf32, #tpu.memory_space<vmem>>)
      tpu.yield
    }) : () -> ()
    %mul3A_3 = arith.constant 192 : i32
    %mul3A_4 = arith.muli %add3A, %mul3A_3 : i32
    %add3A_5 = arith.constant 2048 : i32
    %add3A_6 = arith.addi %add3A_5, %mul3A_4 : i32
    %add3A_7 = arith.constant 0 : i32
    %add3A_8 = arith.addi %add3A_6, %add3A_7 : i32
    %dma_start3A = arith.constant 0 : i32
    %dma_start3A_9 = arith.constant 0 : i32
    %dma_start3A_10 = tpu.memref_slice %arg6[%add3A_8, %dma_start3A, %dma_start3A_9] : memref<8192x16x128xf32, #tpu.memory_space<hbm>> -> memref<16x16x128xf32, #tpu.memory_space<hbm>>
    %dma_start3A_11 = arith.constant 0 : i32
    %dma_start3A_12 = arith.constant 0 : i32
    %dma_start3A_13 = tpu.memref_slice %arg6[%add3A_8, %dma_start3A_11, %dma_start3A_12] : memref<8192x16x128xf32, #tpu.memory_space<hbm>> -> memref<16x16x128xf32, #tpu.memory_space<hbm>>
    tpu.enqueue_dma source(%arg11 : memref<16x16x128xf32, #tpu.memory_space<vmem>>) target(%dma_start3A_13 : memref<16x16x128xf32, #tpu.memory_space<hbm>>) target_semaphore(%arg12 : memref<!tpu.dma_semaphore, #tpu.memory_space<semaphore_mem>>)
    %add3A_14 = arith.constant 16 : i32
    %add3A_15 = arith.addi %add3A_6, %add3A_14 : i32
    %dma_start3A_16 = arith.constant 0 : i32
    %dma_start3A_17 = arith.constant 0 : i32
    %dma_start3A_18 = tpu.memref_slice %arg6[%add3A_15, %dma_start3A_16, %dma_start3A_17] : memref<8192x16x128xf32, #tpu.memory_space<hbm>> -> memref<16x16x128xf32, #tpu.memory_space<hbm>>
    %dma_start3A_19 = arith.constant 0 : i32
    %dma_start3A_20 = arith.constant 0 : i32
    %dma_start3A_21 = tpu.memref_slice %arg6[%add3A_15, %dma_start3A_19, %dma_start3A_20] : memref<8192x16x128xf32, #tpu.memory_space<hbm>> -> memref<16x16x128xf32, #tpu.memory_space<hbm>>
    tpu.enqueue_dma source(%arg11 : memref<16x16x128xf32, #tpu.memory_space<vmem>>) target(%dma_start3A_21 : memref<16x16x128xf32, #tpu.memory_space<hbm>>) target_semaphore(%arg12 : memref<!tpu.dma_semaphore, #tpu.memory_space<semaphore_mem>>)
    %add3A_22 = arith.constant 32 : i32
    %add3A_23 = arith.addi %add3A_6, %add3A_22 : i32
    %dma_start3A_24 = arith.constant 0 : i32
    %dma_start3A_25 = arith.constant 0 : i32
    %dma_start3A_26 = tpu.memref_slice %arg6[%add3A_23, %dma_start3A_24, %dma_start3A_25] : memref<8192x16x128xf32, #tpu.memory_space<hbm>> -> memref<16x16x128xf32, #tpu.memory_space<hbm>>
    %dma_start3A_27 = arith.constant 0 : i32
    %dma_start3A_28 = arith.constant 0 : i32
    %dma_start3A_29 = tpu.memref_slice %arg6[%add3A_23, %dma_start3A_27, %dma_start3A_28] : memref<8192x16x128xf32, #tpu.memory_space<hbm>> -> memref<16x16x128xf32, #tpu.memory_space<hbm>>
    tpu.enqueue_dma source(%arg11 : memref<16x16x128xf32, #tpu.memory_space<vmem>>) target(%dma_start3A_29 : memref<16x16x128xf32, #tpu.memory_space<hbm>>) target_semaphore(%arg12 : memref<!tpu.dma_semaphore, #tpu.memory_space<semaphore_mem>>)
    %add3A_30 = arith.constant 48 : i32
    %add3A_31 = arith.addi %add3A_6, %add3A_30 : i32
    %dma_start3A_32 = arith.constant 0 : i32
    %dma_start3A_33 = arith.constant 0 : i32
    %dma_start3A_34 = tpu.memref_slice %arg6[%add3A_31, %dma_start3A_32, %dma_start3A_33] : memref<8192x16x128xf32, #tpu.memory_space<hbm>> -> memref<16x16x128xf32, #tpu.memory_space<hbm>>
    %dma_start3A_35 = arith.constant 0 : i32
    %dma_start3A_36 = arith.constant 0 : i32
    %dma_start3A_37 = tpu.memref_slice %arg6[%add3A_31, %dma_start3A_35, %dma_start3A_36] : memref<8192x16x128xf32, #tpu.memory_space<hbm>> -> memref<16x16x128xf32, #tpu.memory_space<hbm>>
    tpu.enqueue_dma source(%arg11 : memref<16x16x128xf32, #tpu.memory_space<vmem>>) target(%dma_start3A_37 : memref<16x16x128xf32, #tpu.memory_space<hbm>>) target_semaphore(%arg12 : memref<!tpu.dma_semaphore, #tpu.memory_space<semaphore_mem>>)
    %add3A_38 = arith.constant 64 : i32
    %add3A_39 = arith.addi %add3A_6, %add3A_38 : i32
    %dma_start3A_40 = arith.constant 0 : i32
    %dma_start3A_41 = arith.constant 0 : i32
    %dma_start3A_42 = tpu.memref_slice %arg6[%add3A_39, %dma_start3A_40, %dma_start3A_41] : memref<8192x16x128xf32, #tpu.memory_space<hbm>> -> memref<16x16x128xf32, #tpu.memory_space<hbm>>
    %dma_start3A_43 = arith.constant 0 : i32
    %dma_start3A_44 = arith.constant 0 : i32
    %dma_start3A_45 = tpu.memref_slice %arg6[%add3A_39, %dma_start3A_43, %dma_start3A_44] : memref<8192x16x128xf32, #tpu.memory_space<hbm>> -> memref<16x16x128xf32, #tpu.memory_space<hbm>>
    tpu.enqueue_dma source(%arg11 : memref<16x16x128xf32, #tpu.memory_space<vmem>>) target(%dma_start3A_45 : memref<16x16x128xf32, #tpu.memory_space<hbm>>) target_semaphore(%arg12 : memref<!tpu.dma_semaphore, #tpu.memory_space<semaphore_mem>>)
    %add3A_46 = arith.constant 80 : i32
    %add3A_47 = arith.addi %add3A_6, %add3A_46 : i32
    %dma_start3A_48 = arith.constant 0 : i32
    %dma_start3A_49 = arith.constant 0 : i32
    %dma_start3A_50 = tpu.memref_slice %arg6[%add3A_47, %dma_start3A_48, %dma_start3A_49] : memref<8192x16x128xf32, #tpu.memory_space<hbm>> -> memref<16x16x128xf32, #tpu.memory_space<hbm>>
    %dma_start3A_51 = arith.constant 0 : i32
    %dma_start3A_52 = arith.constant 0 : i32
    %dma_start3A_53 = tpu.memref_slice %arg6[%add3A_47, %dma_start3A_51, %dma_start3A_52] : memref<8192x16x128xf32, #tpu.memory_space<hbm>> -> memref<16x16x128xf32, #tpu.memory_space<hbm>>
    tpu.enqueue_dma source(%arg11 : memref<16x16x128xf32, #tpu.memory_space<vmem>>) target(%dma_start3A_53 : memref<16x16x128xf32, #tpu.memory_space<hbm>>) target_semaphore(%arg12 : memref<!tpu.dma_semaphore, #tpu.memory_space<semaphore_mem>>)
    %add3A_54 = arith.constant 96 : i32
    %add3A_55 = arith.addi %add3A_6, %add3A_54 : i32
    %dma_start3A_56 = arith.constant 0 : i32
    %dma_start3A_57 = arith.constant 0 : i32
    %dma_start3A_58 = tpu.memref_slice %arg6[%add3A_55, %dma_start3A_56, %dma_start3A_57] : memref<8192x16x128xf32, #tpu.memory_space<hbm>> -> memref<16x16x128xf32, #tpu.memory_space<hbm>>
    %dma_start3A_59 = arith.constant 0 : i32
    %dma_start3A_60 = arith.constant 0 : i32
    %dma_start3A_61 = tpu.memref_slice %arg6[%add3A_55, %dma_start3A_59, %dma_start3A_60] : memref<8192x16x128xf32, #tpu.memory_space<hbm>> -> memref<16x16x128xf32, #tpu.memory_space<hbm>>
    tpu.enqueue_dma source(%arg11 : memref<16x16x128xf32, #tpu.memory_space<vmem>>) target(%dma_start3A_61 : memref<16x16x128xf32, #tpu.memory_space<hbm>>) target_semaphore(%arg12 : memref<!tpu.dma_semaphore, #tpu.memory_space<semaphore_mem>>)
    %add3A_62 = arith.constant 112 : i32
    %add3A_63 = arith.addi %add3A_6, %add3A_62 : i32
    %dma_start3A_64 = arith.constant 0 : i32
    %dma_start3A_65 = arith.constant 0 : i32
    %dma_start3A_66 = tpu.memref_slice %arg6[%add3A_63, %dma_start3A_64, %dma_start3A_65] : memref<8192x16x128xf32, #tpu.memory_space<hbm>> -> memref<16x16x128xf32, #tpu.memory_space<hbm>>
    %dma_start3A_67 = arith.constant 0 : i32
    %dma_start3A_68 = arith.constant 0 : i32
    %dma_start3A_69 = tpu.memref_slice %arg6[%add3A_63, %dma_start3A_67, %dma_start3A_68] : memref<8192x16x128xf32, #tpu.memory_space<hbm>> -> memref<16x16x128xf32, #tpu.memory_space<hbm>>
    tpu.enqueue_dma source(%arg11 : memref<16x16x128xf32, #tpu.memory_space<vmem>>) target(%dma_start3A_69 : memref<16x16x128xf32, #tpu.memory_space<hbm>>) target_semaphore(%arg12 : memref<!tpu.dma_semaphore, #tpu.memory_space<semaphore_mem>>)
    %add3A_70 = arith.constant 128 : i32
    %add3A_71 = arith.addi %add3A_6, %add3A_70 : i32
    %dma_start3A_72 = arith.constant 0 : i32
    %dma_start3A_73 = arith.constant 0 : i32
    %dma_start3A_74 = tpu.memref_slice %arg6[%add3A_71, %dma_start3A_72, %dma_start3A_73] : memref<8192x16x128xf32, #tpu.memory_space<hbm>> -> memref<16x16x128xf32, #tpu.memory_space<hbm>>
    %dma_start3A_75 = arith.constant 0 : i32
    %dma_start3A_76 = arith.constant 0 : i32
    %dma_start3A_77 = tpu.memref_slice %arg6[%add3A_71, %dma_start3A_75, %dma_start3A_76] : memref<8192x16x128xf32, #tpu.memory_space<hbm>> -> memref<16x16x128xf32, #tpu.memory_space<hbm>>
    tpu.enqueue_dma source(%arg11 : memref<16x16x128xf32, #tpu.memory_space<vmem>>) target(%dma_start3A_77 : memref<16x16x128xf32, #tpu.memory_space<hbm>>) target_semaphore(%arg12 : memref<!tpu.dma_semaphore, #tpu.memory_space<semaphore_mem>>)
    %add3A_78 = arith.constant 144 : i32
    %add3A_79 = arith.addi %add3A_6, %add3A_78 : i32
    %dma_start3A_80 = arith.constant 0 : i32
    %dma_start3A_81 = arith.constant 0 : i32
    %dma_start3A_82 = tpu.memref_slice %arg6[%add3A_79, %dma_start3A_80, %dma_start3A_81] : memref<8192x16x128xf32, #tpu.memory_space<hbm>> -> memref<16x16x128xf32, #tpu.memory_space<hbm>>
    %dma_start3A_83 = arith.constant 0 : i32
    %dma_start3A_84 = arith.constant 0 : i32
    %dma_start3A_85 = tpu.memref_slice %arg6[%add3A_79, %dma_start3A_83, %dma_start3A_84] : memref<8192x16x128xf32, #tpu.memory_space<hbm>> -> memref<16x16x128xf32, #tpu.memory_space<hbm>>
    tpu.enqueue_dma source(%arg11 : memref<16x16x128xf32, #tpu.memory_space<vmem>>) target(%dma_start3A_85 : memref<16x16x128xf32, #tpu.memory_space<hbm>>) target_semaphore(%arg12 : memref<!tpu.dma_semaphore, #tpu.memory_space<semaphore_mem>>)
    %add3A_86 = arith.constant 160 : i32
    %add3A_87 = arith.addi %add3A_6, %add3A_86 : i32
    %dma_start3A_88 = arith.constant 0 : i32
    %dma_start3A_89 = arith.constant 0 : i32
    %dma_start3A_90 = tpu.memref_slice %arg6[%add3A_87, %dma_start3A_88, %dma_start3A_89] : memref<8192x16x128xf32, #tpu.memory_space<hbm>> -> memref<16x16x128xf32, #tpu.memory_space<hbm>>
    %dma_start3A_91 = arith.constant 0 : i32
    %dma_start3A_92 = arith.constant 0 : i32
    %dma_start3A_93 = tpu.memref_slice %arg6[%add3A_87, %dma_start3A_91, %dma_start3A_92] : memref<8192x16x128xf32, #tpu.memory_space<hbm>> -> memref<16x16x128xf32, #tpu.memory_space<hbm>>
    tpu.enqueue_dma source(%arg11 : memref<16x16x128xf32, #tpu.memory_space<vmem>>) target(%dma_start3A_93 : memref<16x16x128xf32, #tpu.memory_space<hbm>>) target_semaphore(%arg12 : memref<!tpu.dma_semaphore, #tpu.memory_space<semaphore_mem>>)
    %add3A_94 = arith.constant 176 : i32
    %add3A_95 = arith.addi %add3A_6, %add3A_94 : i32
    %dma_start3A_96 = arith.constant 0 : i32
    %dma_start3A_97 = arith.constant 0 : i32
    %dma_start3A_98 = tpu.memref_slice %arg6[%add3A_95, %dma_start3A_96, %dma_start3A_97] : memref<8192x16x128xf32, #tpu.memory_space<hbm>> -> memref<16x16x128xf32, #tpu.memory_space<hbm>>
    %dma_start3A_99 = arith.constant 0 : i32
    %dma_start3A_100 = arith.constant 0 : i32
    %dma_start3A_101 = tpu.memref_slice %arg6[%add3A_95, %dma_start3A_99, %dma_start3A_100] : memref<8192x16x128xf32, #tpu.memory_space<hbm>> -> memref<16x16x128xf32, #tpu.memory_space<hbm>>
    tpu.enqueue_dma source(%arg11 : memref<16x16x128xf32, #tpu.memory_space<vmem>>) target(%dma_start3A_101 : memref<16x16x128xf32, #tpu.memory_space<hbm>>) target_semaphore(%arg12 : memref<!tpu.dma_semaphore, #tpu.memory_space<semaphore_mem>>)
    %add3A_102 = arith.constant 0 : i32
    %add3A_103 = arith.addi %add3A_6, %add3A_102 : i32
    %dma_start3A_104 = arith.constant 0 : i32
    %dma_start3A_105 = arith.constant 0 : i32
    %dma_start3A_106 = tpu.memref_slice %arg7[%add3A_103, %dma_start3A_104, %dma_start3A_105] : memref<8192x16x128xf32, #tpu.memory_space<hbm>> -> memref<16x16x128xf32, #tpu.memory_space<hbm>>
    %dma_start3A_107 = arith.constant 0 : i32
    %dma_start3A_108 = arith.constant 0 : i32
    %dma_start3A_109 = tpu.memref_slice %arg7[%add3A_103, %dma_start3A_107, %dma_start3A_108] : memref<8192x16x128xf32, #tpu.memory_space<hbm>> -> memref<16x16x128xf32, #tpu.memory_space<hbm>>
    tpu.enqueue_dma source(%arg11 : memref<16x16x128xf32, #tpu.memory_space<vmem>>) target(%dma_start3A_109 : memref<16x16x128xf32, #tpu.memory_space<hbm>>) target_semaphore(%arg12 : memref<!tpu.dma_semaphore, #tpu.memory_space<semaphore_mem>>)
    %add3A_110 = arith.constant 16 : i32
    %add3A_111 = arith.addi %add3A_6, %add3A_110 : i32
    %dma_start3A_112 = arith.constant 0 : i32
    %dma_start3A_113 = arith.constant 0 : i32
    %dma_start3A_114 = tpu.memref_slice %arg7[%add3A_111, %dma_start3A_112, %dma_start3A_113] : memref<8192x16x128xf32, #tpu.memory_space<hbm>> -> memref<16x16x128xf32, #tpu.memory_space<hbm>>
    %dma_start3A_115 = arith.constant 0 : i32
    %dma_start3A_116 = arith.constant 0 : i32
    %dma_start3A_117 = tpu.memref_slice %arg7[%add3A_111, %dma_start3A_115, %dma_start3A_116] : memref<8192x16x128xf32, #tpu.memory_space<hbm>> -> memref<16x16x128xf32, #tpu.memory_space<hbm>>
    tpu.enqueue_dma source(%arg11 : memref<16x16x128xf32, #tpu.memory_space<vmem>>) target(%dma_start3A_117 : memref<16x16x128xf32, #tpu.memory_space<hbm>>) target_semaphore(%arg12 : memref<!tpu.dma_semaphore, #tpu.memory_space<semaphore_mem>>)
    %add3A_118 = arith.constant 32 : i32
    %add3A_119 = arith.addi %add3A_6, %add3A_118 : i32
    %dma_start3A_120 = arith.constant 0 : i32
    %dma_start3A_121 = arith.constant 0 : i32
    %dma_start3A_122 = tpu.memref_slice %arg7[%add3A_119, %dma_start3A_120, %dma_start3A_121] : memref<8192x16x128xf32, #tpu.memory_space<hbm>> -> memref<16x16x128xf32, #tpu.memory_space<hbm>>
    %dma_start3A_123 = arith.constant 0 : i32
    %dma_start3A_124 = arith.constant 0 : i32
    %dma_start3A_125 = tpu.memref_slice %arg7[%add3A_119, %dma_start3A_123, %dma_start3A_124] : memref<8192x16x128xf32, #tpu.memory_space<hbm>> -> memref<16x16x128xf32, #tpu.memory_space<hbm>>
    tpu.enqueue_dma source(%arg11 : memref<16x16x128xf32, #tpu.memory_space<vmem>>) target(%dma_start3A_125 : memref<16x16x128xf32, #tpu.memory_space<hbm>>) target_semaphore(%arg12 : memref<!tpu.dma_semaphore, #tpu.memory_space<semaphore_mem>>)
    %add3A_126 = arith.constant 48 : i32
    %add3A_127 = arith.addi %add3A_6, %add3A_126 : i32
    %dma_start3A_128 = arith.constant 0 : i32
    %dma_start3A_129 = arith.constant 0 : i32
    %dma_start3A_130 = tpu.memref_slice %arg7[%add3A_127, %dma_start3A_128, %dma_start3A_129] : memref<8192x16x128xf32, #tpu.memory_space<hbm>> -> memref<16x16x128xf32, #tpu.memory_space<hbm>>
    %dma_start3A_131 = arith.constant 0 : i32
    %dma_start3A_132 = arith.constant 0 : i32
    %dma_start3A_133 = tpu.memref_slice %arg7[%add3A_127, %dma_start3A_131, %dma_start3A_132] : memref<8192x16x128xf32, #tpu.memory_space<hbm>> -> memref<16x16x128xf32, #tpu.memory_space<hbm>>
    tpu.enqueue_dma source(%arg11 : memref<16x16x128xf32, #tpu.memory_space<vmem>>) target(%dma_start3A_133 : memref<16x16x128xf32, #tpu.memory_space<hbm>>) target_semaphore(%arg12 : memref<!tpu.dma_semaphore, #tpu.memory_space<semaphore_mem>>)
    %add3A_134 = arith.constant 64 : i32
    %add3A_135 = arith.addi %add3A_6, %add3A_134 : i32
    %dma_start3A_136 = arith.constant 0 : i32
    %dma_start3A_137 = arith.constant 0 : i32
    %dma_start3A_138 = tpu.memref_slice %arg7[%add3A_135, %dma_start3A_136, %dma_start3A_137] : memref<8192x16x128xf32, #tpu.memory_space<hbm>> -> memref<16x16x128xf32, #tpu.memory_space<hbm>>
    %dma_start3A_139 = arith.constant 0 : i32
    %dma_start3A_140 = arith.constant 0 : i32
    %dma_start3A_141 = tpu.memref_slice %arg7[%add3A_135, %dma_start3A_139, %dma_start3A_140] : memref<8192x16x128xf32, #tpu.memory_space<hbm>> -> memref<16x16x128xf32, #tpu.memory_space<hbm>>
    tpu.enqueue_dma source(%arg11 : memref<16x16x128xf32, #tpu.memory_space<vmem>>) target(%dma_start3A_141 : memref<16x16x128xf32, #tpu.memory_space<hbm>>) target_semaphore(%arg12 : memref<!tpu.dma_semaphore, #tpu.memory_space<semaphore_mem>>)
    %add3A_142 = arith.constant 80 : i32
    %add3A_143 = arith.addi %add3A_6, %add3A_142 : i32
    %dma_start3A_144 = arith.constant 0 : i32
    %dma_start3A_145 = arith.constant 0 : i32
    %dma_start3A_146 = tpu.memref_slice %arg7[%add3A_143, %dma_start3A_144, %dma_start3A_145] : memref<8192x16x128xf32, #tpu.memory_space<hbm>> -> memref<16x16x128xf32, #tpu.memory_space<hbm>>
    %dma_start3A_147 = arith.constant 0 : i32
    %dma_start3A_148 = arith.constant 0 : i32
    %dma_start3A_149 = tpu.memref_slice %arg7[%add3A_143, %dma_start3A_147, %dma_start3A_148] : memref<8192x16x128xf32, #tpu.memory_space<hbm>> -> memref<16x16x128xf32, #tpu.memory_space<hbm>>
    tpu.enqueue_dma source(%arg11 : memref<16x16x128xf32, #tpu.memory_space<vmem>>) target(%dma_start3A_149 : memref<16x16x128xf32, #tpu.memory_space<hbm>>) target_semaphore(%arg12 : memref<!tpu.dma_semaphore, #tpu.memory_space<semaphore_mem>>)
    %add3A_150 = arith.constant 96 : i32
    %add3A_151 = arith.addi %add3A_6, %add3A_150 : i32
    %dma_start3A_152 = arith.constant 0 : i32
    %dma_start3A_153 = arith.constant 0 : i32
    %dma_start3A_154 = tpu.memref_slice %arg7[%add3A_151, %dma_start3A_152, %dma_start3A_153] : memref<8192x16x128xf32, #tpu.memory_space<hbm>> -> memref<16x16x128xf32, #tpu.memory_space<hbm>>
    %dma_start3A_155 = arith.constant 0 : i32
    %dma_start3A_156 = arith.constant 0 : i32
    %dma_start3A_157 = tpu.memref_slice %arg7[%add3A_151, %dma_start3A_155, %dma_start3A_156] : memref<8192x16x128xf32, #tpu.memory_space<hbm>> -> memref<16x16x128xf32, #tpu.memory_space<hbm>>
    tpu.enqueue_dma source(%arg11 : memref<16x16x128xf32, #tpu.memory_space<vmem>>) target(%dma_start3A_157 : memref<16x16x128xf32, #tpu.memory_space<hbm>>) target_semaphore(%arg12 : memref<!tpu.dma_semaphore, #tpu.memory_space<semaphore_mem>>)
    %add3A_158 = arith.constant 112 : i32
    %add3A_159 = arith.addi %add3A_6, %add3A_158 : i32
    %dma_start3A_160 = arith.constant 0 : i32
    %dma_start3A_161 = arith.constant 0 : i32
    %dma_start3A_162 = tpu.memref_slice %arg7[%add3A_159, %dma_start3A_160, %dma_start3A_161] : memref<8192x16x128xf32, #tpu.memory_space<hbm>> -> memref<16x16x128xf32, #tpu.memory_space<hbm>>
    %dma_start3A_163 = arith.constant 0 : i32
    %dma_start3A_164 = arith.constant 0 : i32
    %dma_start3A_165 = tpu.memref_slice %arg7[%add3A_159, %dma_start3A_163, %dma_start3A_164] : memref<8192x16x128xf32, #tpu.memory_space<hbm>> -> memref<16x16x128xf32, #tpu.memory_space<hbm>>
    tpu.enqueue_dma source(%arg11 : memref<16x16x128xf32, #tpu.memory_space<vmem>>) target(%dma_start3A_165 : memref<16x16x128xf32, #tpu.memory_space<hbm>>) target_semaphore(%arg12 : memref<!tpu.dma_semaphore, #tpu.memory_space<semaphore_mem>>)
    %add3A_166 = arith.constant 128 : i32
    %add3A_167 = arith.addi %add3A_6, %add3A_166 : i32
    %dma_start3A_168 = arith.constant 0 : i32
    %dma_start3A_169 = arith.constant 0 : i32
    %dma_start3A_170 = tpu.memref_slice %arg7[%add3A_167, %dma_start3A_168, %dma_start3A_169] : memref<8192x16x128xf32, #tpu.memory_space<hbm>> -> memref<16x16x128xf32, #tpu.memory_space<hbm>>
    %dma_start3A_171 = arith.constant 0 : i32
    %dma_start3A_172 = arith.constant 0 : i32
    %dma_start3A_173 = tpu.memref_slice %arg7[%add3A_167, %dma_start3A_171, %dma_start3A_172] : memref<8192x16x128xf32, #tpu.memory_space<hbm>> -> memref<16x16x128xf32, #tpu.memory_space<hbm>>
    tpu.enqueue_dma source(%arg11 : memref<16x16x128xf32, #tpu.memory_space<vmem>>) target(%dma_start3A_173 : memref<16x16x128xf32, #tpu.memory_space<hbm>>) target_semaphore(%arg12 : memref<!tpu.dma_semaphore, #tpu.memory_space<semaphore_mem>>)
    %add3A_174 = arith.constant 144 : i32
    %add3A_175 = arith.addi %add3A_6, %add3A_174 : i32
    %dma_start3A_176 = arith.constant 0 : i32
    %dma_start3A_177 = arith.constant 0 : i32
    %dma_start3A_178 = tpu.memref_slice %arg7[%add3A_175, %dma_start3A_176, %dma_start3A_177] : memref<8192x16x128xf32, #tpu.memory_space<hbm>> -> memref<16x16x128xf32, #tpu.memory_space<hbm>>
    %dma_start3A_179 = arith.constant 0 : i32
    %dma_start3A_180 = arith.constant 0 : i32
    %dma_start3A_181 = tpu.memref_slice %arg7[%add3A_175, %dma_start3A_179, %dma_start3A_180] : memref<8192x16x128xf32, #tpu.memory_space<hbm>> -> memref<16x16x128xf32, #tpu.memory_space<hbm>>
    tpu.enqueue_dma source(%arg11 : memref<16x16x128xf32, #tpu.memory_space<vmem>>) target(%dma_start3A_181 : memref<16x16x128xf32, #tpu.memory_space<hbm>>) target_semaphore(%arg12 : memref<!tpu.dma_semaphore, #tpu.memory_space<semaphore_mem>>)
    %add3A_182 = arith.constant 160 : i32
    %add3A_183 = arith.addi %add3A_6, %add3A_182 : i32
    %dma_start3A_184 = arith.constant 0 : i32
    %dma_start3A_185 = arith.constant 0 : i32
    %dma_start3A_186 = tpu.memref_slice %arg7[%add3A_183, %dma_start3A_184, %dma_start3A_185] : memref<8192x16x128xf32, #tpu.memory_space<hbm>> -> memref<16x16x128xf32, #tpu.memory_space<hbm>>
    %dma_start3A_187 = arith.constant 0 : i32
    %dma_start3A_188 = arith.constant 0 : i32
    %dma_start3A_189 = tpu.memref_slice %arg7[%add3A_183, %dma_start3A_187, %dma_start3A_188] : memref<8192x16x128xf32, #tpu.memory_space<hbm>> -> memref<16x16x128xf32, #tpu.memory_space<hbm>>
    tpu.enqueue_dma source(%arg11 : memref<16x16x128xf32, #tpu.memory_space<vmem>>) target(%dma_start3A_189 : memref<16x16x128xf32, #tpu.memory_space<hbm>>) target_semaphore(%arg12 : memref<!tpu.dma_semaphore, #tpu.memory_space<semaphore_mem>>)
    %add3A_190 = arith.constant 176 : i32
    %add3A_191 = arith.addi %add3A_6, %add3A_190 : i32
    %dma_start3A_192 = arith.constant 0 : i32
    %dma_start3A_193 = arith.constant 0 : i32
    %dma_start3A_194 = tpu.memref_slice %arg7[%add3A_191, %dma_start3A_192, %dma_start3A_193] : memref<8192x16x128xf32, #tpu.memory_space<hbm>> -> memref<16x16x128xf32, #tpu.memory_space<hbm>>
    %dma_start3A_195 = arith.constant 0 : i32
    %dma_start3A_196 = arith.constant 0 : i32
    %dma_start3A_197 = tpu.memref_slice %arg7[%add3A_191, %dma_start3A_195, %dma_start3A_196] : memref<8192x16x128xf32, #tpu.memory_space<hbm>> -> memref<16x16x128xf32, #tpu.memory_space<hbm>>
    tpu.enqueue_dma source(%arg11 : memref<16x16x128xf32, #tpu.memory_space<vmem>>) target(%dma_start3A_197 : memref<16x16x128xf32, #tpu.memory_space<hbm>>) target_semaphore(%arg12 : memref<!tpu.dma_semaphore, #tpu.memory_space<semaphore_mem>>)
    %dma_start3A_198 = arith.constant 0 : i32
    %dma_start3A_199 = tpu.memref_slice %arg8[%dma_start3A_198] : memref<64xi32, #tpu.memory_space<vmem>> -> memref<16xi32, #tpu.memory_space<vmem>>
    %dma_start3A_200 = arith.constant 0 : i32
    %dma_start3A_201 = arith.constant 0 : i32
    %dma_start3A_202 = arith.constant 0 : i32
    %dma_start3A_203 = tpu.memref_slice %arg3[%dma_start3A_200, %dma_start3A_201, %dma_start3A_202] : memref<8192x16x128xf32, #tpu.memory_space<hbm>> -> memref<8192x16x128xf32, #tpu.memory_space<hbm>>
    tpu.enqueue_indirect_dma source(%dma_start3A_203 : memref<8192x16x128xf32, #tpu.memory_space<hbm>>) target(%arg9 : memref<16x16x128xf32, #tpu.memory_space<vmem>>) offsets(%dma_start3A_199 : memref<16xi32, #tpu.memory_space<vmem>>) semaphore(%arg13 : memref<!tpu.dma_semaphore, #tpu.memory_space<semaphore_mem>>)
    %dma_start3A_204 = arith.constant 16 : i32
    %dma_start3A_205 = tpu.memref_slice %arg8[%dma_start3A_204] : memref<64xi32, #tpu.memory_space<vmem>> -> memref<16xi32, #tpu.memory_space<vmem>>
    %dma_start3A_206 = arith.constant 0 : i32
    %dma_start3A_207 = arith.constant 0 : i32
    %dma_start3A_208 = arith.constant 0 : i32
    %dma_start3A_209 = tpu.memref_slice %arg3[%dma_start3A_206, %dma_start3A_207, %dma_start3A_208] : memref<8192x16x128xf32, #tpu.memory_space<hbm>> -> memref<8192x16x128xf32, #tpu.memory_space<hbm>>
    tpu.enqueue_indirect_dma source(%dma_start3A_209 : memref<8192x16x128xf32, #tpu.memory_space<hbm>>) target(%arg10 : memref<16x16x128xf32, #tpu.memory_space<vmem>>) offsets(%dma_start3A_205 : memref<16xi32, #tpu.memory_space<vmem>>) semaphore(%arg14 : memref<!tpu.dma_semaphore, #tpu.memory_space<semaphore_mem>>)
    %dma_wait3A = arith.constant 0 : i32
    %dma_wait3A_210 = tpu.memref_slice %arg8[%dma_wait3A] : memref<64xi32, #tpu.memory_space<vmem>> -> memref<16xi32, #tpu.memory_space<vmem>>
    %dma_wait3A_211 = arith.constant 0 : i32
    %dma_wait3A_212 = arith.constant 0 : i32
    %dma_wait3A_213 = arith.constant 0 : i32
    %dma_wait3A_214 = tpu.memref_slice %arg3[%dma_wait3A_211, %dma_wait3A_212, %dma_wait3A_213] : memref<8192x16x128xf32, #tpu.memory_space<hbm>> -> memref<8192x16x128xf32, #tpu.memory_space<hbm>>
    tpu.wait_indirect_dma semaphore(%arg13 : memref<!tpu.dma_semaphore, #tpu.memory_space<semaphore_mem>>) src(%dma_wait3A_214 : memref<8192x16x128xf32, #tpu.memory_space<hbm>>) dst(%arg9 : memref<16x16x128xf32, #tpu.memory_space<vmem>>)
    %add3A_215 = arith.constant 0 : i32
    %add3A_216 = arith.addi %mul3A_2, %add3A_215 : i32
    %dma_start3A_217 = arith.constant 0 : i32
    %dma_start3A_218 = arith.constant 0 : i32
    %dma_start3A_219 = tpu.memref_slice %arg6[%add3A_216, %dma_start3A_217, %dma_start3A_218] : memref<8192x16x128xf32, #tpu.memory_space<hbm>> -> memref<16x16x128xf32, #tpu.memory_space<hbm>>
    %dma_start3A_220 = arith.constant 0 : i32
    %dma_start3A_221 = arith.constant 0 : i32
    %dma_start3A_222 = tpu.memref_slice %arg6[%add3A_216, %dma_start3A_220, %dma_start3A_221] : memref<8192x16x128xf32, #tpu.memory_space<hbm>> -> memref<16x16x128xf32, #tpu.memory_space<hbm>>
    tpu.enqueue_dma source(%arg9 : memref<16x16x128xf32, #tpu.memory_space<vmem>>) target(%dma_start3A_222 : memref<16x16x128xf32, #tpu.memory_space<hbm>>) target_semaphore(%arg15 : memref<!tpu.dma_semaphore, #tpu.memory_space<semaphore_mem>>)
    %dma_wait3A_223 = arith.constant 0 : i32
    %dma_wait3A_224 = arith.constant 0 : i32
    %dma_wait3A_225 = tpu.memref_slice %arg6[%add3A_216, %dma_wait3A_223, %dma_wait3A_224] : memref<8192x16x128xf32, #tpu.memory_space<hbm>> -> memref<16x16x128xf32, #tpu.memory_space<hbm>>
    %dma_wait3A_226 = arith.constant 0 : i32
    %dma_wait3A_227 = arith.constant 0 : i32
    %dma_wait3A_228 = tpu.memref_slice %arg6[%add3A_216, %dma_wait3A_226, %dma_wait3A_227] : memref<8192x16x128xf32, #tpu.memory_space<hbm>> -> memref<16x16x128xf32, #tpu.memory_space<hbm>>
    tpu.wait_dma2 semaphore(%arg15 : memref<!tpu.dma_semaphore, #tpu.memory_space<semaphore_mem>>) src(%arg9 : memref<16x16x128xf32, #tpu.memory_space<vmem>>) dst(%dma_wait3A_228 : memref<16x16x128xf32, #tpu.memory_space<hbm>>)
    %dma_start3A_229 = arith.constant 32 : i32
    %dma_start3A_230 = tpu.memref_slice %arg8[%dma_start3A_229] : memref<64xi32, #tpu.memory_space<vmem>> -> memref<16xi32, #tpu.memory_space<vmem>>
    %dma_start3A_231 = arith.constant 0 : i32
    %dma_start3A_232 = arith.constant 0 : i32
    %dma_start3A_233 = arith.constant 0 : i32
    %dma_start3A_234 = tpu.memref_slice %arg3[%dma_start3A_231, %dma_start3A_232, %dma_start3A_233] : memref<8192x16x128xf32, #tpu.memory_space<hbm>> -> memref<8192x16x128xf32, #tpu.memory_space<hbm>>
    tpu.enqueue_indirect_dma source(%dma_start3A_234 : memref<8192x16x128xf32, #tpu.memory_space<hbm>>) target(%arg9 : memref<16x16x128xf32, #tpu.memory_space<vmem>>) offsets(%dma_start3A_230 : memref<16xi32, #tpu.memory_space<vmem>>) semaphore(%arg13 : memref<!tpu.dma_semaphore, #tpu.memory_space<semaphore_mem>>)
    %dma_wait3A_235 = arith.constant 16 : i32
    %dma_wait3A_236 = tpu.memref_slice %arg8[%dma_wait3A_235] : memref<64xi32, #tpu.memory_space<vmem>> -> memref<16xi32, #tpu.memory_space<vmem>>
    %dma_wait3A_237 = arith.constant 0 : i32
    %dma_wait3A_238 = arith.constant 0 : i32
    %dma_wait3A_239 = arith.constant 0 : i32
    %dma_wait3A_240 = tpu.memref_slice %arg3[%dma_wait3A_237, %dma_wait3A_238, %dma_wait3A_239] : memref<8192x16x128xf32, #tpu.memory_space<hbm>> -> memref<8192x16x128xf32, #tpu.memory_space<hbm>>
    tpu.wait_indirect_dma semaphore(%arg14 : memref<!tpu.dma_semaphore, #tpu.memory_space<semaphore_mem>>) src(%dma_wait3A_240 : memref<8192x16x128xf32, #tpu.memory_space<hbm>>) dst(%arg10 : memref<16x16x128xf32, #tpu.memory_space<vmem>>)
    %add3A_241 = arith.constant 16 : i32
    %add3A_242 = arith.addi %mul3A_2, %add3A_241 : i32
    %dma_start3A_243 = arith.constant 0 : i32
    %dma_start3A_244 = arith.constant 0 : i32
    %dma_start3A_245 = tpu.memref_slice %arg6[%add3A_242, %dma_start3A_243, %dma_start3A_244] : memref<8192x16x128xf32, #tpu.memory_space<hbm>> -> memref<16x16x128xf32, #tpu.memory_space<hbm>>
    %dma_start3A_246 = arith.constant 0 : i32
    %dma_start3A_247 = arith.constant 0 : i32
    %dma_start3A_248 = tpu.memref_slice %arg6[%add3A_242, %dma_start3A_246, %dma_start3A_247] : memref<8192x16x128xf32, #tpu.memory_space<hbm>> -> memref<16x16x128xf32, #tpu.memory_space<hbm>>
    tpu.enqueue_dma source(%arg10 : memref<16x16x128xf32, #tpu.memory_space<vmem>>) target(%dma_start3A_248 : memref<16x16x128xf32, #tpu.memory_space<hbm>>) target_semaphore(%arg16 : memref<!tpu.dma_semaphore, #tpu.memory_space<semaphore_mem>>)
    %dma_wait3A_249 = arith.constant 0 : i32
    %dma_wait3A_250 = arith.constant 0 : i32
    %dma_wait3A_251 = tpu.memref_slice %arg6[%add3A_242, %dma_wait3A_249, %dma_wait3A_250] : memref<8192x16x128xf32, #tpu.memory_space<hbm>> -> memref<16x16x128xf32, #tpu.memory_space<hbm>>
    %dma_wait3A_252 = arith.constant 0 : i32
    %dma_wait3A_253 = arith.constant 0 : i32
    %dma_wait3A_254 = tpu.memref_slice %arg6[%add3A_242, %dma_wait3A_252, %dma_wait3A_253] : memref<8192x16x128xf32, #tpu.memory_space<hbm>> -> memref<16x16x128xf32, #tpu.memory_space<hbm>>
    tpu.wait_dma2 semaphore(%arg16 : memref<!tpu.dma_semaphore, #tpu.memory_space<semaphore_mem>>) src(%arg10 : memref<16x16x128xf32, #tpu.memory_space<vmem>>) dst(%dma_wait3A_254 : memref<16x16x128xf32, #tpu.memory_space<hbm>>)
    %dma_start3A_255 = arith.constant 48 : i32
    %dma_start3A_256 = tpu.memref_slice %arg8[%dma_start3A_255] : memref<64xi32, #tpu.memory_space<vmem>> -> memref<16xi32, #tpu.memory_space<vmem>>
    %dma_start3A_257 = arith.constant 0 : i32
    %dma_start3A_258 = arith.constant 0 : i32
    %dma_start3A_259 = arith.constant 0 : i32
    %dma_start3A_260 = tpu.memref_slice %arg3[%dma_start3A_257, %dma_start3A_258, %dma_start3A_259] : memref<8192x16x128xf32, #tpu.memory_space<hbm>> -> memref<8192x16x128xf32, #tpu.memory_space<hbm>>
    tpu.enqueue_indirect_dma source(%dma_start3A_260 : memref<8192x16x128xf32, #tpu.memory_space<hbm>>) target(%arg10 : memref<16x16x128xf32, #tpu.memory_space<vmem>>) offsets(%dma_start3A_256 : memref<16xi32, #tpu.memory_space<vmem>>) semaphore(%arg14 : memref<!tpu.dma_semaphore, #tpu.memory_space<semaphore_mem>>)
    %dma_wait3A_261 = arith.constant 32 : i32
    %dma_wait3A_262 = tpu.memref_slice %arg8[%dma_wait3A_261] : memref<64xi32, #tpu.memory_space<vmem>> -> memref<16xi32, #tpu.memory_space<vmem>>
    %dma_wait3A_263 = arith.constant 0 : i32
    %dma_wait3A_264 = arith.constant 0 : i32
    %dma_wait3A_265 = arith.constant 0 : i32
    %dma_wait3A_266 = tpu.memref_slice %arg3[%dma_wait3A_263, %dma_wait3A_264, %dma_wait3A_265] : memref<8192x16x128xf32, #tpu.memory_space<hbm>> -> memref<8192x16x128xf32, #tpu.memory_space<hbm>>
    tpu.wait_indirect_dma semaphore(%arg13 : memref<!tpu.dma_semaphore, #tpu.memory_space<semaphore_mem>>) src(%dma_wait3A_266 : memref<8192x16x128xf32, #tpu.memory_space<hbm>>) dst(%arg9 : memref<16x16x128xf32, #tpu.memory_space<vmem>>)
    %add3A_267 = arith.constant 32 : i32
    %add3A_268 = arith.addi %mul3A_2, %add3A_267 : i32
    %dma_start3A_269 = arith.constant 0 : i32
    %dma_start3A_270 = arith.constant 0 : i32
    %dma_start3A_271 = tpu.memref_slice %arg6[%add3A_268, %dma_start3A_269, %dma_start3A_270] : memref<8192x16x128xf32, #tpu.memory_space<hbm>> -> memref<16x16x128xf32, #tpu.memory_space<hbm>>
    %dma_start3A_272 = arith.constant 0 : i32
    %dma_start3A_273 = arith.constant 0 : i32
    %dma_start3A_274 = tpu.memref_slice %arg6[%add3A_268, %dma_start3A_272, %dma_start3A_273] : memref<8192x16x128xf32, #tpu.memory_space<hbm>> -> memref<16x16x128xf32, #tpu.memory_space<hbm>>
    tpu.enqueue_dma source(%arg9 : memref<16x16x128xf32, #tpu.memory_space<vmem>>) target(%dma_start3A_274 : memref<16x16x128xf32, #tpu.memory_space<hbm>>) target_semaphore(%arg15 : memref<!tpu.dma_semaphore, #tpu.memory_space<semaphore_mem>>)
    %dma_wait3A_275 = arith.constant 0 : i32
    %dma_wait3A_276 = arith.constant 0 : i32
    %dma_wait3A_277 = tpu.memref_slice %arg6[%add3A_268, %dma_wait3A_275, %dma_wait3A_276] : memref<8192x16x128xf32, #tpu.memory_space<hbm>> -> memref<16x16x128xf32, #tpu.memory_space<hbm>>
    %dma_wait3A_278 = arith.constant 0 : i32
    %dma_wait3A_279 = arith.constant 0 : i32
    %dma_wait3A_280 = tpu.memref_slice %arg6[%add3A_268, %dma_wait3A_278, %dma_wait3A_279] : memref<8192x16x128xf32, #tpu.memory_space<hbm>> -> memref<16x16x128xf32, #tpu.memory_space<hbm>>
    tpu.wait_dma2 semaphore(%arg15 : memref<!tpu.dma_semaphore, #tpu.memory_space<semaphore_mem>>) src(%arg9 : memref<16x16x128xf32, #tpu.memory_space<vmem>>) dst(%dma_wait3A_280 : memref<16x16x128xf32, #tpu.memory_space<hbm>>)
    %dma_start3A_281 = arith.constant 0 : i32
    %dma_start3A_282 = tpu.memref_slice %arg8[%dma_start3A_281] : memref<64xi32, #tpu.memory_space<vmem>> -> memref<16xi32, #tpu.memory_space<vmem>>
    %dma_start3A_283 = arith.constant 0 : i32
    %dma_start3A_284 = arith.constant 0 : i32
    %dma_start3A_285 = arith.constant 0 : i32
    %dma_start3A_286 = tpu.memref_slice %arg4[%dma_start3A_283, %dma_start3A_284, %dma_start3A_285] : memref<8192x16x128xf32, #tpu.memory_space<hbm>> -> memref<8192x16x128xf32, #tpu.memory_space<hbm>>
    tpu.enqueue_indirect_dma source(%dma_start3A_286 : memref<8192x16x128xf32, #tpu.memory_space<hbm>>) target(%arg9 : memref<16x16x128xf32, #tpu.memory_space<vmem>>) offsets(%dma_start3A_282 : memref<16xi32, #tpu.memory_space<vmem>>) semaphore(%arg13 : memref<!tpu.dma_semaphore, #tpu.memory_space<semaphore_mem>>)
    %dma_wait3A_287 = arith.constant 48 : i32
    %dma_wait3A_288 = tpu.memref_slice %arg8[%dma_wait3A_287] : memref<64xi32, #tpu.memory_space<vmem>> -> memref<16xi32, #tpu.memory_space<vmem>>
    %dma_wait3A_289 = arith.constant 0 : i32
    %dma_wait3A_290 = arith.constant 0 : i32
    %dma_wait3A_291 = arith.constant 0 : i32
    %dma_wait3A_292 = tpu.memref_slice %arg3[%dma_wait3A_289, %dma_wait3A_290, %dma_wait3A_291] : memref<8192x16x128xf32, #tpu.memory_space<hbm>> -> memref<8192x16x128xf32, #tpu.memory_space<hbm>>
    tpu.wait_indirect_dma semaphore(%arg14 : memref<!tpu.dma_semaphore, #tpu.memory_space<semaphore_mem>>) src(%dma_wait3A_292 : memref<8192x16x128xf32, #tpu.memory_space<hbm>>) dst(%arg10 : memref<16x16x128xf32, #tpu.memory_space<vmem>>)
    %add3A_293 = arith.constant 48 : i32
    %add3A_294 = arith.addi %mul3A_2, %add3A_293 : i32
    %dma_start3A_295 = arith.constant 0 : i32
    %dma_start3A_296 = arith.constant 0 : i32
    %dma_start3A_297 = tpu.memref_slice %arg6[%add3A_294, %dma_start3A_295, %dma_start3A_296] : memref<8192x16x128xf32, #tpu.memory_space<hbm>> -> memref<16x16x128xf32, #tpu.memory_space<hbm>>
    %dma_start3A_298 = arith.constant 0 : i32
    %dma_start3A_299 = arith.constant 0 : i32
    %dma_start3A_300 = tpu.memref_slice %arg6[%add3A_294, %dma_start3A_298, %dma_start3A_299] : memref<8192x16x128xf32, #tpu.memory_space<hbm>> -> memref<16x16x128xf32, #tpu.memory_space<hbm>>
    tpu.enqueue_dma source(%arg10 : memref<16x16x128xf32, #tpu.memory_space<vmem>>) target(%dma_start3A_300 : memref<16x16x128xf32, #tpu.memory_space<hbm>>) target_semaphore(%arg16 : memref<!tpu.dma_semaphore, #tpu.memory_space<semaphore_mem>>)
    %dma_wait3A_301 = arith.constant 0 : i32
    %dma_wait3A_302 = arith.constant 0 : i32
    %dma_wait3A_303 = tpu.memref_slice %arg6[%add3A_294, %dma_wait3A_301, %dma_wait3A_302] : memref<8192x16x128xf32, #tpu.memory_space<hbm>> -> memref<16x16x128xf32, #tpu.memory_space<hbm>>
    %dma_wait3A_304 = arith.constant 0 : i32
    %dma_wait3A_305 = arith.constant 0 : i32
    %dma_wait3A_306 = tpu.memref_slice %arg6[%add3A_294, %dma_wait3A_304, %dma_wait3A_305] : memref<8192x16x128xf32, #tpu.memory_space<hbm>> -> memref<16x16x128xf32, #tpu.memory_space<hbm>>
    tpu.wait_dma2 semaphore(%arg16 : memref<!tpu.dma_semaphore, #tpu.memory_space<semaphore_mem>>) src(%arg10 : memref<16x16x128xf32, #tpu.memory_space<vmem>>) dst(%dma_wait3A_306 : memref<16x16x128xf32, #tpu.memory_space<hbm>>)
    %dma_start3A_307 = arith.constant 16 : i32
    %dma_start3A_308 = tpu.memref_slice %arg8[%dma_start3A_307] : memref<64xi32, #tpu.memory_space<vmem>> -> memref<16xi32, #tpu.memory_space<vmem>>
    %dma_start3A_309 = arith.constant 0 : i32
    %dma_start3A_310 = arith.constant 0 : i32
    %dma_start3A_311 = arith.constant 0 : i32
    %dma_start3A_312 = tpu.memref_slice %arg4[%dma_start3A_309, %dma_start3A_310, %dma_start3A_311] : memref<8192x16x128xf32, #tpu.memory_space<hbm>> -> memref<8192x16x128xf32, #tpu.memory_space<hbm>>
    tpu.enqueue_indirect_dma source(%dma_start3A_312 : memref<8192x16x128xf32, #tpu.memory_space<hbm>>) target(%arg10 : memref<16x16x128xf32, #tpu.memory_space<vmem>>) offsets(%dma_start3A_308 : memref<16xi32, #tpu.memory_space<vmem>>) semaphore(%arg14 : memref<!tpu.dma_semaphore, #tpu.memory_space<semaphore_mem>>)
    %dma_wait3A_313 = arith.constant 0 : i32
    %dma_wait3A_314 = tpu.memref_slice %arg8[%dma_wait3A_313] : memref<64xi32, #tpu.memory_space<vmem>> -> memref<16xi32, #tpu.memory_space<vmem>>
    %dma_wait3A_315 = arith.constant 0 : i32
    %dma_wait3A_316 = arith.constant 0 : i32
    %dma_wait3A_317 = arith.constant 0 : i32
    %dma_wait3A_318 = tpu.memref_slice %arg4[%dma_wait3A_315, %dma_wait3A_316, %dma_wait3A_317] : memref<8192x16x128xf32, #tpu.memory_space<hbm>> -> memref<8192x16x128xf32, #tpu.memory_space<hbm>>
    tpu.wait_indirect_dma semaphore(%arg13 : memref<!tpu.dma_semaphore, #tpu.memory_space<semaphore_mem>>) src(%dma_wait3A_318 : memref<8192x16x128xf32, #tpu.memory_space<hbm>>) dst(%arg9 : memref<16x16x128xf32, #tpu.memory_space<vmem>>)
    %add3A_319 = arith.constant 0 : i32
    %add3A_320 = arith.addi %mul3A_2, %add3A_319 : i32
    %dma_start3A_321 = arith.constant 0 : i32
    %dma_start3A_322 = arith.constant 0 : i32
    %dma_start3A_323 = tpu.memref_slice %arg7[%add3A_320, %dma_start3A_321, %dma_start3A_322] : memref<8192x16x128xf32, #tpu.memory_space<hbm>> -> memref<16x16x128xf32, #tpu.memory_space<hbm>>
    %dma_start3A_324 = arith.constant 0 : i32
    %dma_start3A_325 = arith.constant 0 : i32
    %dma_start3A_326 = tpu.memref_slice %arg7[%add3A_320, %dma_start3A_324, %dma_start3A_325] : memref<8192x16x128xf32, #tpu.memory_space<hbm>> -> memref<16x16x128xf32, #tpu.memory_space<hbm>>
    tpu.enqueue_dma source(%arg9 : memref<16x16x128xf32, #tpu.memory_space<vmem>>) target(%dma_start3A_326 : memref<16x16x128xf32, #tpu.memory_space<hbm>>) target_semaphore(%arg15 : memref<!tpu.dma_semaphore, #tpu.memory_space<semaphore_mem>>)
    %dma_wait3A_327 = arith.constant 0 : i32
    %dma_wait3A_328 = arith.constant 0 : i32
    %dma_wait3A_329 = tpu.memref_slice %arg7[%add3A_320, %dma_wait3A_327, %dma_wait3A_328] : memref<8192x16x128xf32, #tpu.memory_space<hbm>> -> memref<16x16x128xf32, #tpu.memory_space<hbm>>
    %dma_wait3A_330 = arith.constant 0 : i32
    %dma_wait3A_331 = arith.constant 0 : i32
    %dma_wait3A_332 = tpu.memref_slice %arg7[%add3A_320, %dma_wait3A_330, %dma_wait3A_331] : memref<8192x16x128xf32, #tpu.memory_space<hbm>> -> memref<16x16x128xf32, #tpu.memory_space<hbm>>
    tpu.wait_dma2 semaphore(%arg15 : memref<!tpu.dma_semaphore, #tpu.memory_space<semaphore_mem>>) src(%arg9 : memref<16x16x128xf32, #tpu.memory_space<vmem>>) dst(%dma_wait3A_332 : memref<16x16x128xf32, #tpu.memory_space<hbm>>)
    %dma_start3A_333 = arith.constant 32 : i32
    %dma_start3A_334 = tpu.memref_slice %arg8[%dma_start3A_333] : memref<64xi32, #tpu.memory_space<vmem>> -> memref<16xi32, #tpu.memory_space<vmem>>
    %dma_start3A_335 = arith.constant 0 : i32
    %dma_start3A_336 = arith.constant 0 : i32
    %dma_start3A_337 = arith.constant 0 : i32
    %dma_start3A_338 = tpu.memref_slice %arg4[%dma_start3A_335, %dma_start3A_336, %dma_start3A_337] : memref<8192x16x128xf32, #tpu.memory_space<hbm>> -> memref<8192x16x128xf32, #tpu.memory_space<hbm>>
    tpu.enqueue_indirect_dma source(%dma_start3A_338 : memref<8192x16x128xf32, #tpu.memory_space<hbm>>) target(%arg9 : memref<16x16x128xf32, #tpu.memory_space<vmem>>) offsets(%dma_start3A_334 : memref<16xi32, #tpu.memory_space<vmem>>) semaphore(%arg13 : memref<!tpu.dma_semaphore, #tpu.memory_space<semaphore_mem>>)
    %dma_wait3A_339 = arith.constant 16 : i32
    %dma_wait3A_340 = tpu.memref_slice %arg8[%dma_wait3A_339] : memref<64xi32, #tpu.memory_space<vmem>> -> memref<16xi32, #tpu.memory_space<vmem>>
    %dma_wait3A_341 = arith.constant 0 : i32
    %dma_wait3A_342 = arith.constant 0 : i32
    %dma_wait3A_343 = arith.constant 0 : i32
    %dma_wait3A_344 = tpu.memref_slice %arg4[%dma_wait3A_341, %dma_wait3A_342, %dma_wait3A_343] : memref<8192x16x128xf32, #tpu.memory_space<hbm>> -> memref<8192x16x128xf32, #tpu.memory_space<hbm>>
    tpu.wait_indirect_dma semaphore(%arg14 : memref<!tpu.dma_semaphore, #tpu.memory_space<semaphore_mem>>) src(%dma_wait3A_344 : memref<8192x16x128xf32, #tpu.memory_space<hbm>>) dst(%arg10 : memref<16x16x128xf32, #tpu.memory_space<vmem>>)
    %add3A_345 = arith.constant 16 : i32
    %add3A_346 = arith.addi %mul3A_2, %add3A_345 : i32
    %dma_start3A_347 = arith.constant 0 : i32
    %dma_start3A_348 = arith.constant 0 : i32
    %dma_start3A_349 = tpu.memref_slice %arg7[%add3A_346, %dma_start3A_347, %dma_start3A_348] : memref<8192x16x128xf32, #tpu.memory_space<hbm>> -> memref<16x16x128xf32, #tpu.memory_space<hbm>>
    %dma_start3A_350 = arith.constant 0 : i32
    %dma_start3A_351 = arith.constant 0 : i32
    %dma_start3A_352 = tpu.memref_slice %arg7[%add3A_346, %dma_start3A_350, %dma_start3A_351] : memref<8192x16x128xf32, #tpu.memory_space<hbm>> -> memref<16x16x128xf32, #tpu.memory_space<hbm>>
    tpu.enqueue_dma source(%arg10 : memref<16x16x128xf32, #tpu.memory_space<vmem>>) target(%dma_start3A_352 : memref<16x16x128xf32, #tpu.memory_space<hbm>>) target_semaphore(%arg16 : memref<!tpu.dma_semaphore, #tpu.memory_space<semaphore_mem>>)
    %dma_wait3A_353 = arith.constant 0 : i32
    %dma_wait3A_354 = arith.constant 0 : i32
    %dma_wait3A_355 = tpu.memref_slice %arg7[%add3A_346, %dma_wait3A_353, %dma_wait3A_354] : memref<8192x16x128xf32, #tpu.memory_space<hbm>> -> memref<16x16x128xf32, #tpu.memory_space<hbm>>
    %dma_wait3A_356 = arith.constant 0 : i32
    %dma_wait3A_357 = arith.constant 0 : i32
    %dma_wait3A_358 = tpu.memref_slice %arg7[%add3A_346, %dma_wait3A_356, %dma_wait3A_357] : memref<8192x16x128xf32, #tpu.memory_space<hbm>> -> memref<16x16x128xf32, #tpu.memory_space<hbm>>
    tpu.wait_dma2 semaphore(%arg16 : memref<!tpu.dma_semaphore, #tpu.memory_space<semaphore_mem>>) src(%arg10 : memref<16x16x128xf32, #tpu.memory_space<vmem>>) dst(%dma_wait3A_358 : memref<16x16x128xf32, #tpu.memory_space<hbm>>)
    %dma_start3A_359 = arith.constant 48 : i32
    %dma_start3A_360 = tpu.memref_slice %arg8[%dma_start3A_359] : memref<64xi32, #tpu.memory_space<vmem>> -> memref<16xi32, #tpu.memory_space<vmem>>
    %dma_start3A_361 = arith.constant 0 : i32
    %dma_start3A_362 = arith.constant 0 : i32
    %dma_start3A_363 = arith.constant 0 : i32
    %dma_start3A_364 = tpu.memref_slice %arg4[%dma_start3A_361, %dma_start3A_362, %dma_start3A_363] : memref<8192x16x128xf32, #tpu.memory_space<hbm>> -> memref<8192x16x128xf32, #tpu.memory_space<hbm>>
    tpu.enqueue_indirect_dma source(%dma_start3A_364 : memref<8192x16x128xf32, #tpu.memory_space<hbm>>) target(%arg10 : memref<16x16x128xf32, #tpu.memory_space<vmem>>) offsets(%dma_start3A_360 : memref<16xi32, #tpu.memory_space<vmem>>) semaphore(%arg14 : memref<!tpu.dma_semaphore, #tpu.memory_space<semaphore_mem>>)
    %dma_wait3A_365 = arith.constant 32 : i32
    %dma_wait3A_366 = tpu.memref_slice %arg8[%dma_wait3A_365] : memref<64xi32, #tpu.memory_space<vmem>> -> memref<16xi32, #tpu.memory_space<vmem>>
    %dma_wait3A_367 = arith.constant 0 : i32
    %dma_wait3A_368 = arith.constant 0 : i32
    %dma_wait3A_369 = arith.constant 0 : i32
    %dma_wait3A_370 = tpu.memref_slice %arg4[%dma_wait3A_367, %dma_wait3A_368, %dma_wait3A_369] : memref<8192x16x128xf32, #tpu.memory_space<hbm>> -> memref<8192x16x128xf32, #tpu.memory_space<hbm>>
    tpu.wait_indirect_dma semaphore(%arg13 : memref<!tpu.dma_semaphore, #tpu.memory_space<semaphore_mem>>) src(%dma_wait3A_370 : memref<8192x16x128xf32, #tpu.memory_space<hbm>>) dst(%arg9 : memref<16x16x128xf32, #tpu.memory_space<vmem>>)
    %add3A_371 = arith.constant 32 : i32
    %add3A_372 = arith.addi %mul3A_2, %add3A_371 : i32
    %dma_start3A_373 = arith.constant 0 : i32
    %dma_start3A_374 = arith.constant 0 : i32
    %dma_start3A_375 = tpu.memref_slice %arg7[%add3A_372, %dma_start3A_373, %dma_start3A_374] : memref<8192x16x128xf32, #tpu.memory_space<hbm>> -> memref<16x16x128xf32, #tpu.memory_space<hbm>>
    %dma_start3A_376 = arith.constant 0 : i32
    %dma_start3A_377 = arith.constant 0 : i32
    %dma_start3A_378 = tpu.memref_slice %arg7[%add3A_372, %dma_start3A_376, %dma_start3A_377] : memref<8192x16x128xf32, #tpu.memory_space<hbm>> -> memref<16x16x128xf32, #tpu.memory_space<hbm>>
    tpu.enqueue_dma source(%arg9 : memref<16x16x128xf32, #tpu.memory_space<vmem>>) target(%dma_start3A_378 : memref<16x16x128xf32, #tpu.memory_space<hbm>>) target_semaphore(%arg15 : memref<!tpu.dma_semaphore, #tpu.memory_space<semaphore_mem>>)
    %dma_wait3A_379 = arith.constant 48 : i32
    %dma_wait3A_380 = tpu.memref_slice %arg8[%dma_wait3A_379] : memref<64xi32, #tpu.memory_space<vmem>> -> memref<16xi32, #tpu.memory_space<vmem>>
    %dma_wait3A_381 = arith.constant 0 : i32
    %dma_wait3A_382 = arith.constant 0 : i32
    %dma_wait3A_383 = arith.constant 0 : i32
    %dma_wait3A_384 = tpu.memref_slice %arg4[%dma_wait3A_381, %dma_wait3A_382, %dma_wait3A_383] : memref<8192x16x128xf32, #tpu.memory_space<hbm>> -> memref<8192x16x128xf32, #tpu.memory_space<hbm>>
    tpu.wait_indirect_dma semaphore(%arg14 : memref<!tpu.dma_semaphore, #tpu.memory_space<semaphore_mem>>) src(%dma_wait3A_384 : memref<8192x16x128xf32, #tpu.memory_space<hbm>>) dst(%arg10 : memref<16x16x128xf32, #tpu.memory_space<vmem>>)
    %add3A_385 = arith.constant 48 : i32
    %add3A_386 = arith.addi %mul3A_2, %add3A_385 : i32
    %dma_start3A_387 = arith.constant 0 : i32
    %dma_start3A_388 = arith.constant 0 : i32
    %dma_start3A_389 = tpu.memref_slice %arg7[%add3A_386, %dma_start3A_387, %dma_start3A_388] : memref<8192x16x128xf32, #tpu.memory_space<hbm>> -> memref<16x16x128xf32, #tpu.memory_space<hbm>>
    %dma_start3A_390 = arith.constant 0 : i32
    %dma_start3A_391 = arith.constant 0 : i32
    %dma_start3A_392 = tpu.memref_slice %arg7[%add3A_386, %dma_start3A_390, %dma_start3A_391] : memref<8192x16x128xf32, #tpu.memory_space<hbm>> -> memref<16x16x128xf32, #tpu.memory_space<hbm>>
    tpu.enqueue_dma source(%arg10 : memref<16x16x128xf32, #tpu.memory_space<vmem>>) target(%dma_start3A_392 : memref<16x16x128xf32, #tpu.memory_space<hbm>>) target_semaphore(%arg16 : memref<!tpu.dma_semaphore, #tpu.memory_space<semaphore_mem>>)
    %dma_wait3A_393 = arith.constant 0 : i32
    %dma_wait3A_394 = arith.constant 0 : i32
    %dma_wait3A_395 = tpu.memref_slice %arg7[%add3A_372, %dma_wait3A_393, %dma_wait3A_394] : memref<8192x16x128xf32, #tpu.memory_space<hbm>> -> memref<16x16x128xf32, #tpu.memory_space<hbm>>
    %dma_wait3A_396 = arith.constant 0 : i32
    %dma_wait3A_397 = arith.constant 0 : i32
    %dma_wait3A_398 = tpu.memref_slice %arg7[%add3A_372, %dma_wait3A_396, %dma_wait3A_397] : memref<8192x16x128xf32, #tpu.memory_space<hbm>> -> memref<16x16x128xf32, #tpu.memory_space<hbm>>
    tpu.wait_dma2 semaphore(%arg15 : memref<!tpu.dma_semaphore, #tpu.memory_space<semaphore_mem>>) src(%arg9 : memref<16x16x128xf32, #tpu.memory_space<vmem>>) dst(%dma_wait3A_398 : memref<16x16x128xf32, #tpu.memory_space<hbm>>)
    %dma_wait3A_399 = arith.constant 0 : i32
    %dma_wait3A_400 = arith.constant 0 : i32
    %dma_wait3A_401 = tpu.memref_slice %arg7[%add3A_386, %dma_wait3A_399, %dma_wait3A_400] : memref<8192x16x128xf32, #tpu.memory_space<hbm>> -> memref<16x16x128xf32, #tpu.memory_space<hbm>>
    %dma_wait3A_402 = arith.constant 0 : i32
    %dma_wait3A_403 = arith.constant 0 : i32
    %dma_wait3A_404 = tpu.memref_slice %arg7[%add3A_386, %dma_wait3A_402, %dma_wait3A_403] : memref<8192x16x128xf32, #tpu.memory_space<hbm>> -> memref<16x16x128xf32, #tpu.memory_space<hbm>>
    tpu.wait_dma2 semaphore(%arg16 : memref<!tpu.dma_semaphore, #tpu.memory_space<semaphore_mem>>) src(%arg10 : memref<16x16x128xf32, #tpu.memory_space<vmem>>) dst(%dma_wait3A_404 : memref<16x16x128xf32, #tpu.memory_space<hbm>>)
    %dma_wait3A_405 = arith.constant 0 : i32
    %dma_wait3A_406 = arith.constant 0 : i32
    %dma_wait3A_407 = tpu.memref_slice %arg6[%add3A_8, %dma_wait3A_405, %dma_wait3A_406] : memref<8192x16x128xf32, #tpu.memory_space<hbm>> -> memref<16x16x128xf32, #tpu.memory_space<hbm>>
    %dma_wait3A_408 = arith.constant 0 : i32
    %dma_wait3A_409 = arith.constant 0 : i32
    %dma_wait3A_410 = tpu.memref_slice %arg6[%add3A_8, %dma_wait3A_408, %dma_wait3A_409] : memref<8192x16x128xf32, #tpu.memory_space<hbm>> -> memref<16x16x128xf32, #tpu.memory_space<hbm>>
    tpu.wait_dma2 semaphore(%arg12 : memref<!tpu.dma_semaphore, #tpu.memory_space<semaphore_mem>>) src(%arg11 : memref<16x16x128xf32, #tpu.memory_space<vmem>>) dst(%dma_wait3A_410 : memref<16x16x128xf32, #tpu.memory_space<hbm>>)
    %dma_wait3A_411 = arith.constant 0 : i32
    %dma_wait3A_412 = arith.constant 0 : i32
    %dma_wait3A_413 = tpu.memref_slice %arg6[%add3A_15, %dma_wait3A_411, %dma_wait3A_412] : memref<8192x16x128xf32, #tpu.memory_space<hbm>> -> memref<16x16x128xf32, #tpu.memory_space<hbm>>
    %dma_wait3A_414 = arith.constant 0 : i32
    %dma_wait3A_415 = arith.constant 0 : i32
    %dma_wait3A_416 = tpu.memref_slice %arg6[%add3A_15, %dma_wait3A_414, %dma_wait3A_415] : memref<8192x16x128xf32, #tpu.memory_space<hbm>> -> memref<16x16x128xf32, #tpu.memory_space<hbm>>
    tpu.wait_dma2 semaphore(%arg12 : memref<!tpu.dma_semaphore, #tpu.memory_space<semaphore_mem>>) src(%arg11 : memref<16x16x128xf32, #tpu.memory_space<vmem>>) dst(%dma_wait3A_416 : memref<16x16x128xf32, #tpu.memory_space<hbm>>)
    %dma_wait3A_417 = arith.constant 0 : i32
    %dma_wait3A_418 = arith.constant 0 : i32
    %dma_wait3A_419 = tpu.memref_slice %arg6[%add3A_23, %dma_wait3A_417, %dma_wait3A_418] : memref<8192x16x128xf32, #tpu.memory_space<hbm>> -> memref<16x16x128xf32, #tpu.memory_space<hbm>>
    %dma_wait3A_420 = arith.constant 0 : i32
    %dma_wait3A_421 = arith.constant 0 : i32
    %dma_wait3A_422 = tpu.memref_slice %arg6[%add3A_23, %dma_wait3A_420, %dma_wait3A_421] : memref<8192x16x128xf32, #tpu.memory_space<hbm>> -> memref<16x16x128xf32, #tpu.memory_space<hbm>>
    tpu.wait_dma2 semaphore(%arg12 : memref<!tpu.dma_semaphore, #tpu.memory_space<semaphore_mem>>) src(%arg11 : memref<16x16x128xf32, #tpu.memory_space<vmem>>) dst(%dma_wait3A_422 : memref<16x16x128xf32, #tpu.memory_space<hbm>>)
    %dma_wait3A_423 = arith.constant 0 : i32
    %dma_wait3A_424 = arith.constant 0 : i32
    %dma_wait3A_425 = tpu.memref_slice %arg6[%add3A_31, %dma_wait3A_423, %dma_wait3A_424] : memref<8192x16x128xf32, #tpu.memory_space<hbm>> -> memref<16x16x128xf32, #tpu.memory_space<hbm>>
    %dma_wait3A_426 = arith.constant 0 : i32
    %dma_wait3A_427 = arith.constant 0 : i32
    %dma_wait3A_428 = tpu.memref_slice %arg6[%add3A_31, %dma_wait3A_426, %dma_wait3A_427] : memref<8192x16x128xf32, #tpu.memory_space<hbm>> -> memref<16x16x128xf32, #tpu.memory_space<hbm>>
    tpu.wait_dma2 semaphore(%arg12 : memref<!tpu.dma_semaphore, #tpu.memory_space<semaphore_mem>>) src(%arg11 : memref<16x16x128xf32, #tpu.memory_space<vmem>>) dst(%dma_wait3A_428 : memref<16x16x128xf32, #tpu.memory_space<hbm>>)
    %dma_wait3A_429 = arith.constant 0 : i32
    %dma_wait3A_430 = arith.constant 0 : i32
    %dma_wait3A_431 = tpu.memref_slice %arg6[%add3A_39, %dma_wait3A_429, %dma_wait3A_430] : memref<8192x16x128xf32, #tpu.memory_space<hbm>> -> memref<16x16x128xf32, #tpu.memory_space<hbm>>
    %dma_wait3A_432 = arith.constant 0 : i32
    %dma_wait3A_433 = arith.constant 0 : i32
    %dma_wait3A_434 = tpu.memref_slice %arg6[%add3A_39, %dma_wait3A_432, %dma_wait3A_433] : memref<8192x16x128xf32, #tpu.memory_space<hbm>> -> memref<16x16x128xf32, #tpu.memory_space<hbm>>
    tpu.wait_dma2 semaphore(%arg12 : memref<!tpu.dma_semaphore, #tpu.memory_space<semaphore_mem>>) src(%arg11 : memref<16x16x128xf32, #tpu.memory_space<vmem>>) dst(%dma_wait3A_434 : memref<16x16x128xf32, #tpu.memory_space<hbm>>)
    %dma_wait3A_435 = arith.constant 0 : i32
    %dma_wait3A_436 = arith.constant 0 : i32
    %dma_wait3A_437 = tpu.memref_slice %arg6[%add3A_47, %dma_wait3A_435, %dma_wait3A_436] : memref<8192x16x128xf32, #tpu.memory_space<hbm>> -> memref<16x16x128xf32, #tpu.memory_space<hbm>>
    %dma_wait3A_438 = arith.constant 0 : i32
    %dma_wait3A_439 = arith.constant 0 : i32
    %dma_wait3A_440 = tpu.memref_slice %arg6[%add3A_47, %dma_wait3A_438, %dma_wait3A_439] : memref<8192x16x128xf32, #tpu.memory_space<hbm>> -> memref<16x16x128xf32, #tpu.memory_space<hbm>>
    tpu.wait_dma2 semaphore(%arg12 : memref<!tpu.dma_semaphore, #tpu.memory_space<semaphore_mem>>) src(%arg11 : memref<16x16x128xf32, #tpu.memory_space<vmem>>) dst(%dma_wait3A_440 : memref<16x16x128xf32, #tpu.memory_space<hbm>>)
    %dma_wait3A_441 = arith.constant 0 : i32
    %dma_wait3A_442 = arith.constant 0 : i32
    %dma_wait3A_443 = tpu.memref_slice %arg6[%add3A_55, %dma_wait3A_441, %dma_wait3A_442] : memref<8192x16x128xf32, #tpu.memory_space<hbm>> -> memref<16x16x128xf32, #tpu.memory_space<hbm>>
    %dma_wait3A_444 = arith.constant 0 : i32
    %dma_wait3A_445 = arith.constant 0 : i32
    %dma_wait3A_446 = tpu.memref_slice %arg6[%add3A_55, %dma_wait3A_444, %dma_wait3A_445] : memref<8192x16x128xf32, #tpu.memory_space<hbm>> -> memref<16x16x128xf32, #tpu.memory_space<hbm>>
    tpu.wait_dma2 semaphore(%arg12 : memref<!tpu.dma_semaphore, #tpu.memory_space<semaphore_mem>>) src(%arg11 : memref<16x16x128xf32, #tpu.memory_space<vmem>>) dst(%dma_wait3A_446 : memref<16x16x128xf32, #tpu.memory_space<hbm>>)
    %dma_wait3A_447 = arith.constant 0 : i32
    %dma_wait3A_448 = arith.constant 0 : i32
    %dma_wait3A_449 = tpu.memref_slice %arg6[%add3A_63, %dma_wait3A_447, %dma_wait3A_448] : memref<8192x16x128xf32, #tpu.memory_space<hbm>> -> memref<16x16x128xf32, #tpu.memory_space<hbm>>
    %dma_wait3A_450 = arith.constant 0 : i32
    %dma_wait3A_451 = arith.constant 0 : i32
    %dma_wait3A_452 = tpu.memref_slice %arg6[%add3A_63, %dma_wait3A_450, %dma_wait3A_451] : memref<8192x16x128xf32, #tpu.memory_space<hbm>> -> memref<16x16x128xf32, #tpu.memory_space<hbm>>
    tpu.wait_dma2 semaphore(%arg12 : memref<!tpu.dma_semaphore, #tpu.memory_space<semaphore_mem>>) src(%arg11 : memref<16x16x128xf32, #tpu.memory_space<vmem>>) dst(%dma_wait3A_452 : memref<16x16x128xf32, #tpu.memory_space<hbm>>)
    %dma_wait3A_453 = arith.constant 0 : i32
    %dma_wait3A_454 = arith.constant 0 : i32
    %dma_wait3A_455 = tpu.memref_slice %arg6[%add3A_71, %dma_wait3A_453, %dma_wait3A_454] : memref<8192x16x128xf32, #tpu.memory_space<hbm>> -> memref<16x16x128xf32, #tpu.memory_space<hbm>>
    %dma_wait3A_456 = arith.constant 0 : i32
    %dma_wait3A_457 = arith.constant 0 : i32
    %dma_wait3A_458 = tpu.memref_slice %arg6[%add3A_71, %dma_wait3A_456, %dma_wait3A_457] : memref<8192x16x128xf32, #tpu.memory_space<hbm>> -> memref<16x16x128xf32, #tpu.memory_space<hbm>>
    tpu.wait_dma2 semaphore(%arg12 : memref<!tpu.dma_semaphore, #tpu.memory_space<semaphore_mem>>) src(%arg11 : memref<16x16x128xf32, #tpu.memory_space<vmem>>) dst(%dma_wait3A_458 : memref<16x16x128xf32, #tpu.memory_space<hbm>>)
    %dma_wait3A_459 = arith.constant 0 : i32
    %dma_wait3A_460 = arith.constant 0 : i32
    %dma_wait3A_461 = tpu.memref_slice %arg6[%add3A_79, %dma_wait3A_459, %dma_wait3A_460] : memref<8192x16x128xf32, #tpu.memory_space<hbm>> -> memref<16x16x128xf32, #tpu.memory_space<hbm>>
    %dma_wait3A_462 = arith.constant 0 : i32
    %dma_wait3A_463 = arith.constant 0 : i32
    %dma_wait3A_464 = tpu.memref_slice %arg6[%add3A_79, %dma_wait3A_462, %dma_wait3A_463] : memref<8192x16x128xf32, #tpu.memory_space<hbm>> -> memref<16x16x128xf32, #tpu.memory_space<hbm>>
    tpu.wait_dma2 semaphore(%arg12 : memref<!tpu.dma_semaphore, #tpu.memory_space<semaphore_mem>>) src(%arg11 : memref<16x16x128xf32, #tpu.memory_space<vmem>>) dst(%dma_wait3A_464 : memref<16x16x128xf32, #tpu.memory_space<hbm>>)
    %dma_wait3A_465 = arith.constant 0 : i32
    %dma_wait3A_466 = arith.constant 0 : i32
    %dma_wait3A_467 = tpu.memref_slice %arg6[%add3A_87, %dma_wait3A_465, %dma_wait3A_466] : memref<8192x16x128xf32, #tpu.memory_space<hbm>> -> memref<16x16x128xf32, #tpu.memory_space<hbm>>
    %dma_wait3A_468 = arith.constant 0 : i32
    %dma_wait3A_469 = arith.constant 0 : i32
    %dma_wait3A_470 = tpu.memref_slice %arg6[%add3A_87, %dma_wait3A_468, %dma_wait3A_469] : memref<8192x16x128xf32, #tpu.memory_space<hbm>> -> memref<16x16x128xf32, #tpu.memory_space<hbm>>
    tpu.wait_dma2 semaphore(%arg12 : memref<!tpu.dma_semaphore, #tpu.memory_space<semaphore_mem>>) src(%arg11 : memref<16x16x128xf32, #tpu.memory_space<vmem>>) dst(%dma_wait3A_470 : memref<16x16x128xf32, #tpu.memory_space<hbm>>)
    %dma_wait3A_471 = arith.constant 0 : i32
    %dma_wait3A_472 = arith.constant 0 : i32
    %dma_wait3A_473 = tpu.memref_slice %arg6[%add3A_95, %dma_wait3A_471, %dma_wait3A_472] : memref<8192x16x128xf32, #tpu.memory_space<hbm>> -> memref<16x16x128xf32, #tpu.memory_space<hbm>>
    %dma_wait3A_474 = arith.constant 0 : i32
    %dma_wait3A_475 = arith.constant 0 : i32
    %dma_wait3A_476 = tpu.memref_slice %arg6[%add3A_95, %dma_wait3A_474, %dma_wait3A_475] : memref<8192x16x128xf32, #tpu.memory_space<hbm>> -> memref<16x16x128xf32, #tpu.memory_space<hbm>>
    tpu.wait_dma2 semaphore(%arg12 : memref<!tpu.dma_semaphore, #tpu.memory_space<semaphore_mem>>) src(%arg11 : memref<16x16x128xf32, #tpu.memory_space<vmem>>) dst(%dma_wait3A_476 : memref<16x16x128xf32, #tpu.memory_space<hbm>>)
    %dma_wait3A_477 = arith.constant 0 : i32
    %dma_wait3A_478 = arith.constant 0 : i32
    %dma_wait3A_479 = tpu.memref_slice %arg7[%add3A_103, %dma_wait3A_477, %dma_wait3A_478] : memref<8192x16x128xf32, #tpu.memory_space<hbm>> -> memref<16x16x128xf32, #tpu.memory_space<hbm>>
    %dma_wait3A_480 = arith.constant 0 : i32
    %dma_wait3A_481 = arith.constant 0 : i32
    %dma_wait3A_482 = tpu.memref_slice %arg7[%add3A_103, %dma_wait3A_480, %dma_wait3A_481] : memref<8192x16x128xf32, #tpu.memory_space<hbm>> -> memref<16x16x128xf32, #tpu.memory_space<hbm>>
    tpu.wait_dma2 semaphore(%arg12 : memref<!tpu.dma_semaphore, #tpu.memory_space<semaphore_mem>>) src(%arg11 : memref<16x16x128xf32, #tpu.memory_space<vmem>>) dst(%dma_wait3A_482 : memref<16x16x128xf32, #tpu.memory_space<hbm>>)
    %dma_wait3A_483 = arith.constant 0 : i32
    %dma_wait3A_484 = arith.constant 0 : i32
    %dma_wait3A_485 = tpu.memref_slice %arg7[%add3A_111, %dma_wait3A_483, %dma_wait3A_484] : memref<8192x16x128xf32, #tpu.memory_space<hbm>> -> memref<16x16x128xf32, #tpu.memory_space<hbm>>
    %dma_wait3A_486 = arith.constant 0 : i32
    %dma_wait3A_487 = arith.constant 0 : i32
    %dma_wait3A_488 = tpu.memref_slice %arg7[%add3A_111, %dma_wait3A_486, %dma_wait3A_487] : memref<8192x16x128xf32, #tpu.memory_space<hbm>> -> memref<16x16x128xf32, #tpu.memory_space<hbm>>
    tpu.wait_dma2 semaphore(%arg12 : memref<!tpu.dma_semaphore, #tpu.memory_space<semaphore_mem>>) src(%arg11 : memref<16x16x128xf32, #tpu.memory_space<vmem>>) dst(%dma_wait3A_488 : memref<16x16x128xf32, #tpu.memory_space<hbm>>)
    %dma_wait3A_489 = arith.constant 0 : i32
    %dma_wait3A_490 = arith.constant 0 : i32
    %dma_wait3A_491 = tpu.memref_slice %arg7[%add3A_119, %dma_wait3A_489, %dma_wait3A_490] : memref<8192x16x128xf32, #tpu.memory_space<hbm>> -> memref<16x16x128xf32, #tpu.memory_space<hbm>>
    %dma_wait3A_492 = arith.constant 0 : i32
    %dma_wait3A_493 = arith.constant 0 : i32
    %dma_wait3A_494 = tpu.memref_slice %arg7[%add3A_119, %dma_wait3A_492, %dma_wait3A_493] : memref<8192x16x128xf32, #tpu.memory_space<hbm>> -> memref<16x16x128xf32, #tpu.memory_space<hbm>>
    tpu.wait_dma2 semaphore(%arg12 : memref<!tpu.dma_semaphore, #tpu.memory_space<semaphore_mem>>) src(%arg11 : memref<16x16x128xf32, #tpu.memory_space<vmem>>) dst(%dma_wait3A_494 : memref<16x16x128xf32, #tpu.memory_space<hbm>>)
    %dma_wait3A_495 = arith.constant 0 : i32
    %dma_wait3A_496 = arith.constant 0 : i32
    %dma_wait3A_497 = tpu.memref_slice %arg7[%add3A_127, %dma_wait3A_495, %dma_wait3A_496] : memref<8192x16x128xf32, #tpu.memory_space<hbm>> -> memref<16x16x128xf32, #tpu.memory_space<hbm>>
    %dma_wait3A_498 = arith.constant 0 : i32
    %dma_wait3A_499 = arith.constant 0 : i32
    %dma_wait3A_500 = tpu.memref_slice %arg7[%add3A_127, %dma_wait3A_498, %dma_wait3A_499] : memref<8192x16x128xf32, #tpu.memory_space<hbm>> -> memref<16x16x128xf32, #tpu.memory_space<hbm>>
    tpu.wait_dma2 semaphore(%arg12 : memref<!tpu.dma_semaphore, #tpu.memory_space<semaphore_mem>>) src(%arg11 : memref<16x16x128xf32, #tpu.memory_space<vmem>>) dst(%dma_wait3A_500 : memref<16x16x128xf32, #tpu.memory_space<hbm>>)
    %dma_wait3A_501 = arith.constant 0 : i32
    %dma_wait3A_502 = arith.constant 0 : i32
    %dma_wait3A_503 = tpu.memref_slice %arg7[%add3A_135, %dma_wait3A_501, %dma_wait3A_502] : memref<8192x16x128xf32, #tpu.memory_space<hbm>> -> memref<16x16x128xf32, #tpu.memory_space<hbm>>
    %dma_wait3A_504 = arith.constant 0 : i32
    %dma_wait3A_505 = arith.constant 0 : i32
    %dma_wait3A_506 = tpu.memref_slice %arg7[%add3A_135, %dma_wait3A_504, %dma_wait3A_505] : memref<8192x16x128xf32, #tpu.memory_space<hbm>> -> memref<16x16x128xf32, #tpu.memory_space<hbm>>
    tpu.wait_dma2 semaphore(%arg12 : memref<!tpu.dma_semaphore, #tpu.memory_space<semaphore_mem>>) src(%arg11 : memref<16x16x128xf32, #tpu.memory_space<vmem>>) dst(%dma_wait3A_506 : memref<16x16x128xf32, #tpu.memory_space<hbm>>)
    %dma_wait3A_507 = arith.constant 0 : i32
    %dma_wait3A_508 = arith.constant 0 : i32
    %dma_wait3A_509 = tpu.memref_slice %arg7[%add3A_143, %dma_wait3A_507, %dma_wait3A_508] : memref<8192x16x128xf32, #tpu.memory_space<hbm>> -> memref<16x16x128xf32, #tpu.memory_space<hbm>>
    %dma_wait3A_510 = arith.constant 0 : i32
    %dma_wait3A_511 = arith.constant 0 : i32
    %dma_wait3A_512 = tpu.memref_slice %arg7[%add3A_143, %dma_wait3A_510, %dma_wait3A_511] : memref<8192x16x128xf32, #tpu.memory_space<hbm>> -> memref<16x16x128xf32, #tpu.memory_space<hbm>>
    tpu.wait_dma2 semaphore(%arg12 : memref<!tpu.dma_semaphore, #tpu.memory_space<semaphore_mem>>) src(%arg11 : memref<16x16x128xf32, #tpu.memory_space<vmem>>) dst(%dma_wait3A_512 : memref<16x16x128xf32, #tpu.memory_space<hbm>>)
    %dma_wait3A_513 = arith.constant 0 : i32
    %dma_wait3A_514 = arith.constant 0 : i32
    %dma_wait3A_515 = tpu.memref_slice %arg7[%add3A_151, %dma_wait3A_513, %dma_wait3A_514] : memref<8192x16x128xf32, #tpu.memory_space<hbm>> -> memref<16x16x128xf32, #tpu.memory_space<hbm>>
    %dma_wait3A_516 = arith.constant 0 : i32
    %dma_wait3A_517 = arith.constant 0 : i32
    %dma_wait3A_518 = tpu.memref_slice %arg7[%add3A_151, %dma_wait3A_516, %dma_wait3A_517] : memref<8192x16x128xf32, #tpu.memory_space<hbm>> -> memref<16x16x128xf32, #tpu.memory_space<hbm>>
    tpu.wait_dma2 semaphore(%arg12 : memref<!tpu.dma_semaphore, #tpu.memory_space<semaphore_mem>>) src(%arg11 : memref<16x16x128xf32, #tpu.memory_space<vmem>>) dst(%dma_wait3A_518 : memref<16x16x128xf32, #tpu.memory_space<hbm>>)
    %dma_wait3A_519 = arith.constant 0 : i32
    %dma_wait3A_520 = arith.constant 0 : i32
    %dma_wait3A_521 = tpu.memref_slice %arg7[%add3A_159, %dma_wait3A_519, %dma_wait3A_520] : memref<8192x16x128xf32, #tpu.memory_space<hbm>> -> memref<16x16x128xf32, #tpu.memory_space<hbm>>
    %dma_wait3A_522 = arith.constant 0 : i32
    %dma_wait3A_523 = arith.constant 0 : i32
    %dma_wait3A_524 = tpu.memref_slice %arg7[%add3A_159, %dma_wait3A_522, %dma_wait3A_523] : memref<8192x16x128xf32, #tpu.memory_space<hbm>> -> memref<16x16x128xf32, #tpu.memory_space<hbm>>
    tpu.wait_dma2 semaphore(%arg12 : memref<!tpu.dma_semaphore, #tpu.memory_space<semaphore_mem>>) src(%arg11 : memref<16x16x128xf32, #tpu.memory_space<vmem>>) dst(%dma_wait3A_524 : memref<16x16x128xf32, #tpu.memory_space<hbm>>)
    %dma_wait3A_525 = arith.constant 0 : i32
    %dma_wait3A_526 = arith.constant 0 : i32
    %dma_wait3A_527 = tpu.memref_slice %arg7[%add3A_167, %dma_wait3A_525, %dma_wait3A_526] : memref<8192x16x128xf32, #tpu.memory_space<hbm>> -> memref<16x16x128xf32, #tpu.memory_space<hbm>>
    %dma_wait3A_528 = arith.constant 0 : i32
    %dma_wait3A_529 = arith.constant 0 : i32
    %dma_wait3A_530 = tpu.memref_slice %arg7[%add3A_167, %dma_wait3A_528, %dma_wait3A_529] : memref<8192x16x128xf32, #tpu.memory_space<hbm>> -> memref<16x16x128xf32, #tpu.memory_space<hbm>>
    tpu.wait_dma2 semaphore(%arg12 : memref<!tpu.dma_semaphore, #tpu.memory_space<semaphore_mem>>) src(%arg11 : memref<16x16x128xf32, #tpu.memory_space<vmem>>) dst(%dma_wait3A_530 : memref<16x16x128xf32, #tpu.memory_space<hbm>>)
    %dma_wait3A_531 = arith.constant 0 : i32
    %dma_wait3A_532 = arith.constant 0 : i32
    %dma_wait3A_533 = tpu.memref_slice %arg7[%add3A_175, %dma_wait3A_531, %dma_wait3A_532] : memref<8192x16x128xf32, #tpu.memory_space<hbm>> -> memref<16x16x128xf32, #tpu.memory_space<hbm>>
    %dma_wait3A_534 = arith.constant 0 : i32
    %dma_wait3A_535 = arith.constant 0 : i32
    %dma_wait3A_536 = tpu.memref_slice %arg7[%add3A_175, %dma_wait3A_534, %dma_wait3A_535] : memref<8192x16x128xf32, #tpu.memory_space<hbm>> -> memref<16x16x128xf32, #tpu.memory_space<hbm>>
    tpu.wait_dma2 semaphore(%arg12 : memref<!tpu.dma_semaphore, #tpu.memory_space<semaphore_mem>>) src(%arg11 : memref<16x16x128xf32, #tpu.memory_space<vmem>>) dst(%dma_wait3A_536 : memref<16x16x128xf32, #tpu.memory_space<hbm>>)
    %dma_wait3A_537 = arith.constant 0 : i32
    %dma_wait3A_538 = arith.constant 0 : i32
    %dma_wait3A_539 = tpu.memref_slice %arg7[%add3A_183, %dma_wait3A_537, %dma_wait3A_538] : memref<8192x16x128xf32, #tpu.memory_space<hbm>> -> memref<16x16x128xf32, #tpu.memory_space<hbm>>
    %dma_wait3A_540 = arith.constant 0 : i32
    %dma_wait3A_541 = arith.constant 0 : i32
    %dma_wait3A_542 = tpu.memref_slice %arg7[%add3A_183, %dma_wait3A_540, %dma_wait3A_541] : memref<8192x16x128xf32, #tpu.memory_space<hbm>> -> memref<16x16x128xf32, #tpu.memory_space<hbm>>
    tpu.wait_dma2 semaphore(%arg12 : memref<!tpu.dma_semaphore, #tpu.memory_space<semaphore_mem>>) src(%arg11 : memref<16x16x128xf32, #tpu.memory_space<vmem>>) dst(%dma_wait3A_542 : memref<16x16x128xf32, #tpu.memory_space<hbm>>)
    %dma_wait3A_543 = arith.constant 0 : i32
    %dma_wait3A_544 = arith.constant 0 : i32
    %dma_wait3A_545 = tpu.memref_slice %arg7[%add3A_191, %dma_wait3A_543, %dma_wait3A_544] : memref<8192x16x128xf32, #tpu.memory_space<hbm>> -> memref<16x16x128xf32, #tpu.memory_space<hbm>>
    %dma_wait3A_546 = arith.constant 0 : i32
    %dma_wait3A_547 = arith.constant 0 : i32
    %dma_wait3A_548 = tpu.memref_slice %arg7[%add3A_191, %dma_wait3A_546, %dma_wait3A_547] : memref<8192x16x128xf32, #tpu.memory_space<hbm>> -> memref<16x16x128xf32, #tpu.memory_space<hbm>>
    tpu.wait_dma2 semaphore(%arg12 : memref<!tpu.dma_semaphore, #tpu.memory_space<semaphore_mem>>) src(%arg11 : memref<16x16x128xf32, #tpu.memory_space<vmem>>) dst(%dma_wait3A_548 : memref<16x16x128xf32, #tpu.memory_space<hbm>>)
    return
  }
}

module attributes {stable_mosaic.version = 14 : i64} {
  func.func @_norms_body(%arg0: i32, %arg1: memref<8x128x16x128xf32, #tpu.memory_space<vmem>>, %arg2: memref<8x128xf32, #tpu.memory_space<vmem>>, %arg3: memref<8x128xf32, #tpu.memory_space<vmem>>, %arg4: memref<1x1xi32, #tpu.memory_space<smem>>) attributes {dimension_semantics = [#tpu.dimension_semantics<arbitrary>], iteration_bounds = array<i64: 8>, scalar_prefetch = 0 : i64, scratch_operands = 0 : i64, tpu.core_type = #tpu.core_type<tc>, window_params = [{transform_indices = @transform_0, window_bounds = array<i64: 8, 128, 16, 128>}, {transform_indices = @transform_1, window_bounds = array<i64: 8, 128>}, {transform_indices = @transform_2, window_bounds = array<i64: 8, 128>}, {transform_indices = @transform_3, window_bounds = array<i64: 1, 1>}]} {
    %get3A = arith.constant 0 : index
    %get3A_0 = arith.constant 0 : index
    %get3A_1 = arith.constant 0 : index
    %get3A_2 = arith.constant 0 : index
    %get3A_3 = vector.load %arg1[%get3A, %get3A_0, %get3A_1, %get3A_2] : memref<8x128x16x128xf32, #tpu.memory_space<vmem>>, vector<8x128x16x128xf32>
    %mul3A = arith.mulf %get3A_3, %get3A_3 : vector<8x128x16x128xf32>
    %reduce_sum3A = arith.constant dense<0.000000e+00> : vector<8x128x16xf32>
    %reduce_sum3A_4 = vector.multi_reduction <add>, %mul3A, %reduce_sum3A [3] : vector<8x128x16x128xf32> to vector<8x128x16xf32>
    %sqrt3A = math.sqrt %reduce_sum3A_4 : vector<8x128x16xf32>
    %reduce_sum3A_5 = arith.constant dense<0.000000e+00> : vector<8x128xf32>
    %reduce_sum3A_6 = vector.multi_reduction <add>, %sqrt3A, %reduce_sum3A_5 [2] : vector<8x128x16xf32> to vector<8x128xf32>
    %div3A = arith.constant 1.600000e+01 : f32
    %div3A_7 = vector.broadcast %div3A : f32 to vector<8x128xf32>
    %div3A_8 = arith.divf %reduce_sum3A_6, %div3A_7 : vector<8x128xf32>
    %ne3A = arith.constant 0.000000e+00 : f32
    %ne3A_9 = vector.broadcast %ne3A : f32 to vector<8x128x16x128xf32>
    %ne3A_10 = arith.cmpf one, %get3A_3, %ne3A_9 : vector<8x128x16x128xf32>
    %reduce_or3A = arith.constant 1.000000e+00 : f32
    %reduce_or3A_11 = arith.constant 0.000000e+00 : f32
    %reduce_or3A_12 = vector.broadcast %reduce_or3A : f32 to vector<8x128x16x128xf32>
    %reduce_or3A_13 = vector.broadcast %reduce_or3A_11 : f32 to vector<8x128x16x128xf32>
    %reduce_or3A_14 = arith.select %ne3A_10, %reduce_or3A_12, %reduce_or3A_13 : vector<8x128x16x128xi1>, vector<8x128x16x128xf32>
    %reduce_or3A_15 = arith.constant dense<0xFF800000> : vector<8x128x16xf32>
    %reduce_or3A_16 = vector.multi_reduction <maximumf>, %reduce_or3A_14, %reduce_or3A_15 [3] : vector<8x128x16x128xf32> to vector<8x128x16xf32>
    %reduce_or3A_17 = arith.constant 0.000000e+00 : f32
    %reduce_or3A_18 = vector.broadcast %reduce_or3A_17 : f32 to vector<8x128x16xf32>
    %reduce_or3A_19 = arith.cmpf ogt, %reduce_or3A_16, %reduce_or3A_18 : vector<8x128x16xf32>
    %reduce_or3A_20 = arith.constant 1.000000e+00 : f32
    %reduce_or3A_21 = arith.constant 0.000000e+00 : f32
    %reduce_or3A_22 = vector.broadcast %reduce_or3A_20 : f32 to vector<8x128x16xf32>
    %reduce_or3A_23 = vector.broadcast %reduce_or3A_21 : f32 to vector<8x128x16xf32>
    %reduce_or3A_24 = arith.select %reduce_or3A_19, %reduce_or3A_22, %reduce_or3A_23 : vector<8x128x16xi1>, vector<8x128x16xf32>
    %reduce_or3A_25 = arith.constant dense<0xFF800000> : vector<8x128xf32>
    %reduce_or3A_26 = vector.multi_reduction <maximumf>, %reduce_or3A_24, %reduce_or3A_25 [2] : vector<8x128x16xf32> to vector<8x128xf32>
    %reduce_or3A_27 = arith.constant 0.000000e+00 : f32
    %reduce_or3A_28 = vector.broadcast %reduce_or3A_27 : f32 to vector<8x128xf32>
    %reduce_or3A_29 = arith.cmpf ogt, %reduce_or3A_26, %reduce_or3A_28 : vector<8x128xf32>
    %swap3A = arith.constant 0 : index
    %swap3A_30 = arith.constant 0 : index
    %swap3A_31 = vector.load %arg2[%swap3A, %swap3A_30] : memref<8x128xf32, #tpu.memory_space<vmem>>, vector<8x128xf32>
    tpu.vector_store %arg2[%swap3A, %swap3A_30], %div3A_8 {strides = array<i32>} : memref<8x128xf32, #tpu.memory_space<vmem>>, vector<8x128xf32>,
    %convert_element_type3A = arith.extui %reduce_or3A_29 : vector<8x128xi1> to vector<8x128xi32>
    %convert_element_type3A_32 = arith.sitofp %convert_element_type3A : vector<8x128xi32> to vector<8x128xf32>
    %swap3A_33 = arith.constant 0 : index
    %swap3A_34 = arith.constant 0 : index
    %swap3A_35 = vector.load %arg3[%swap3A_33, %swap3A_34] : memref<8x128xf32, #tpu.memory_space<vmem>>, vector<8x128xf32>
    tpu.vector_store %arg3[%swap3A_33, %swap3A_34], %convert_element_type3A_32 {strides = array<i32>} : memref<8x128xf32, #tpu.memory_space<vmem>>, vector<8x128xf32>,
    %convert_element_type3A_36 = arith.extui %reduce_or3A_29 : vector<8x128xi1> to vector<8x128xi32>
    %reduce_sum3A_37 = vector.shape_cast %convert_element_type3A_36 : vector<8x128xi32> to vector<1x8x128xi32>
    %reduce_sum3A_38 = arith.constant dense<0> : vector<1xi32>
    %reduce_sum3A_39 = vector.multi_reduction <add>, %reduce_sum3A_37, %reduce_sum3A_38 [1, 2] : vector<1x8x128xi32> to vector<1xi32>
    %reduce_sum3A_40 = vector.shape_cast %reduce_sum3A_39 : vector<1xi32> to vector<1x1x1xi32>
    %reduce_sum3A_41 = vector.extract %reduce_sum3A_40[0, 0, 0] : i32 from vector<1x1x1xi32>
    %eq3A = arith.constant 0 : i32
    %eq3A_42 = arith.cmpi eq, %arg0, %eq3A : i32
    %convert_element_type3A_43 = arith.extui %eq3A_42 : i1 to i32
    %cond3A = arith.constant 0 : i32
    %cond3A_44 = arith.cmpi ne, %convert_element_type3A_43, %cond3A : i32
    scf.if %cond3A_44 {
      %swap3A_51 = arith.constant 0 : i32
      %swap3A_52 = arith.constant 0 : index
      %swap3A_53 = arith.constant 0 : index
      %swap3A_54 = memref.load %arg4[%swap3A_52, %swap3A_53] : memref<1x1xi32, #tpu.memory_space<smem>>
      memref.store %swap3A_51, %arg4[%swap3A_52, %swap3A_53] : memref<1x1xi32, #tpu.memory_space<smem>>
    } else {
    }
    %get3A_45 = arith.constant 0 : index
    %get3A_46 = arith.constant 0 : index
    %get3A_47 = memref.load %arg4[%get3A_45, %get3A_46] : memref<1x1xi32, #tpu.memory_space<smem>>
    %add3A = arith.addi %get3A_47, %reduce_sum3A_41 : i32
    %swap3A_48 = arith.constant 0 : index
    %swap3A_49 = arith.constant 0 : index
    %swap3A_50 = memref.load %arg4[%swap3A_48, %swap3A_49] : memref<1x1xi32, #tpu.memory_space<smem>>
    memref.store %add3A, %arg4[%swap3A_48, %swap3A_49] : memref<1x1xi32, #tpu.memory_space<smem>>
    return
  }
  func.func @transform_0(%arg0: i32) -> (i32, i32, i32, i32) {
    %c0_i32 = arith.constant 0 : i32
    %c0_i32_0 = arith.constant 0 : i32
    %c0_i32_1 = arith.constant 0 : i32
    %c0_i32_2 = arith.constant 0 : i32
    return %arg0, %c0_i32, %c0_i32_0, %c0_i32_1 : i32, i32, i32, i32
  }
  func.func @transform_1(%arg0: i32) -> (i32, i32) {
    %c0_i32 = arith.constant 0 : i32
    %c0_i32_0 = arith.constant 0 : i32
    return %arg0, %c0_i32 : i32, i32
  }
  func.func @transform_2(%arg0: i32) -> (i32, i32) {
    %c0_i32 = arith.constant 0 : i32
    %c0_i32_0 = arith.constant 0 : i32
    return %arg0, %c0_i32 : i32, i32
  }
  func.func @transform_3(%arg0: i32) -> (i32, i32) {
    %c0_i32 = arith.constant 0 : i32
    %c0_i32_0 = arith.constant 0 : i32
    %c0_i32_1 = arith.constant 0 : i32
    return %c0_i32, %c0_i32_0 : i32, i32
  }
}

module attributes {stable_mosaic.version = 14 : i64} {
  func.func @_select_body(%arg0: memref<1xi32, #tpu.memory_space<smem>>, %arg1: memref<64x128xf32, #tpu.memory_space<vmem>>, %arg2: memref<64x128xf32, #tpu.memory_space<vmem>>, %arg3: memref<16x128xi32, #tpu.memory_space<vmem>>, %arg4: memref<64x128xf32, #tpu.memory_space<vmem>>) attributes {dimension_semantics = [], scalar_prefetch = 0 : i64, scratch_operands = 1 : i64, tpu.core_type = #tpu.core_type<tc>} {
    %get3A = arith.constant 0 : index
    %get3A_0 = memref.load %arg0[%get3A] : memref<1xi32, #tpu.memory_space<smem>>
    %get3A_1 = arith.constant 0 : index
    %get3A_2 = arith.constant 0 : index
    %get3A_3 = vector.load %arg1[%get3A_1, %get3A_2] : memref<64x128xf32, #tpu.memory_space<vmem>>, vector<64x128xf32>
    %get3A_4 = arith.constant 0 : index
    %get3A_5 = arith.constant 0 : index
    %get3A_6 = vector.load %arg2[%get3A_4, %get3A_5] : memref<64x128xf32, #tpu.memory_space<vmem>>, vector<64x128xf32>
    %iota3A = tpu.iota {dimensions = array<i32: 0>} : vector<64x128xi32>
    %iota3A_7 = tpu.iota {dimensions = array<i32: 1>} : vector<64x128xi32>
    %mul3A = arith.constant 128 : i32
    %mul3A_8 = vector.broadcast %mul3A : i32 to vector<64x128xi32>
    %mul3A_9 = arith.muli %iota3A, %mul3A_8 : vector<64x128xi32>
    %add3A = arith.addi %mul3A_9, %iota3A_7 : vector<64x128xi32>
    %gt3A = arith.constant 0.000000e+00 : f32
    %gt3A_10 = vector.broadcast %gt3A : f32 to vector<64x128xf32>
    %gt3A_11 = arith.cmpf ogt, %get3A_6, %gt3A_10 : vector<64x128xf32>
    %jit3A = arith.constant 0x7F800000 : f32
    %broadcast_in_dim3A = vector.broadcast %jit3A : f32 to vector<64x128xf32>
    %select_n3A = arith.select %gt3A_11, %get3A_3, %broadcast_in_dim3A : vector<64x128xi1>, vector<64x128xf32>
    %eq3A = arith.constant 0 : i32
    %eq3A_12 = vector.broadcast %eq3A : i32 to vector<64x128xi32>
    %eq3A_13 = arith.cmpi eq, %add3A, %eq3A_12 : vector<64x128xi32>
    %neg3A = arith.constant 0.000000e+00 : f32
    %neg3A_14 = arith.constant 0x7F800000 : f32
    %neg3A_15 = arith.subf %neg3A, %neg3A_14 : f32
    %broadcast_in_dim3A_16 = vector.broadcast %neg3A_15 : f32 to vector<64x128xf32>
    %select_n3A_17 = arith.select %eq3A_13, %broadcast_in_dim3A_16, %select_n3A : vector<64x128xi1>, vector<64x128xf32>
    %sub3A = arith.constant 1 : i32
    %sub3A_18 = arith.subi %get3A_0, %sub3A : i32
    %eq3A_19 = vector.broadcast %sub3A_18 : i32 to vector<64x128xi32>
    %eq3A_20 = arith.cmpi eq, %add3A, %eq3A_19 : vector<64x128xi32>
    %neg3A_21 = arith.constant 0.000000e+00 : f32
    %neg3A_22 = arith.constant 0x7F800000 : f32
    %neg3A_23 = arith.subf %neg3A_21, %neg3A_22 : f32
    %broadcast_in_dim3A_24 = vector.broadcast %neg3A_23 : f32 to vector<64x128xf32>
    %select_n3A_25 = arith.select %eq3A_20, %broadcast_in_dim3A_24, %select_n3A_17 : vector<64x128xi1>, vector<64x128xf32>
    %bitcast_convert_type3A = tpu.bitcast %select_n3A_25 : vector<64x128xf32> -> vector<64x128xi32>
    %bitcast_convert_type3A_26 = tpu.bitcast %select_n3A_25 : vector<64x128xf32> -> vector<64x128xi32>
    %lt3A = arith.constant 0 : i32
    %lt3A_27 = vector.broadcast %lt3A : i32 to vector<64x128xi32>
    %lt3A_28 = arith.cmpi slt, %bitcast_convert_type3A, %lt3A_27 : vector<64x128xi32>
    %not3A = arith.constant dense<-1> : vector<64x128xi32>
    %not3A_29 = arith.xori %bitcast_convert_type3A_26, %not3A : vector<64x128xi32>
    %or3A = arith.constant -2147483648 : i32
    %or3A_30 = vector.broadcast %or3A : i32 to vector<64x128xi32>
    %or3A_31 = arith.ori %bitcast_convert_type3A_26, %or3A_30 : vector<64x128xi32>
    %select_n3A_32 = arith.select %lt3A_28, %not3A_29, %or3A_31 : vector<64x128xi1>, vector<64x128xi32>
    %scan3A = arith.constant 0 : i32
    %scan3A_33 = arith.constant -1 : i32
    %scan3A_34 = arith.constant 0 : i32
    %scan3A_35 = arith.constant 32 : i32
    %scan3A_36 = arith.addi %scan3A_34, %scan3A_35 : i32
    %scan3A_37 = arith.constant 1 : i32
    %scan3A_38:2 = scf.for %scan3A_117 = %scan3A_34 to %scan3A_36 step %scan3A_37 iter_args(%scan3A_118 = %scan3A, %scan3A_119 = %scan3A_33) -> (i32, i32)  : i32 {
      %sub3A_120 = arith.subi %scan3A_119, %scan3A_118 : i32
      %shift_right_logical3A = arith.constant 1 : i32
      %shift_right_logical3A_121 = arith.shrui %sub3A_120, %shift_right_logical3A : i32
      %add3A_122 = arith.addi %scan3A_118, %shift_right_logical3A_121 : i32
      %le3A_123 = vector.broadcast %add3A_122 : i32 to vector<64x128xi32>
      %le3A_124 = arith.cmpi ule, %select_n3A_32, %le3A_123 : vector<64x128xi32>
      %convert_element_type3A_125 = arith.extui %le3A_124 : vector<64x128xi1> to vector<64x128xi32>
      %reduce_sum3A_126 = vector.shape_cast %convert_element_type3A_125 : vector<64x128xi32> to vector<1x64x128xi32>
      %reduce_sum3A_127 = arith.constant dense<0> : vector<1xi32>
      %reduce_sum3A_128 = vector.multi_reduction <add>, %reduce_sum3A_126, %reduce_sum3A_127 [1, 2] : vector<1x64x128xi32> to vector<1xi32>
      %reduce_sum3A_129 = vector.shape_cast %reduce_sum3A_128 : vector<1xi32> to vector<1x1x1xi32>
      %reduce_sum3A_130 = vector.extract %reduce_sum3A_129[0, 0, 0] : i32 from vector<1x1x1xi32>
      %ge3A = arith.constant 2048 : i32
      %ge3A_131 = arith.cmpi sge, %reduce_sum3A_130, %ge3A : i32
      %add3A_132 = arith.constant 1 : i32
      %add3A_133 = arith.addi %add3A_122, %add3A_132 : i32
      %select_n3A_134 = arith.select %ge3A_131, %scan3A_118, %add3A_133 : i32
      %select_n3A_135 = arith.select %ge3A_131, %add3A_122, %scan3A_119 : i32
      scf.yield %select_n3A_134, %select_n3A_135 : i32, i32
    }
    %lt3A_39 = vector.broadcast %scan3A_38#0 : i32 to vector<64x128xi32>
    %lt3A_40 = arith.cmpi ult, %select_n3A_32, %lt3A_39 : vector<64x128xi32>
    %convert_element_type3A = arith.extui %lt3A_40 : vector<64x128xi1> to vector<64x128xi32>
    %reduce_sum3A = vector.shape_cast %convert_element_type3A : vector<64x128xi32> to vector<1x64x128xi32>
    %reduce_sum3A_41 = arith.constant dense<0> : vector<1xi32>
    %reduce_sum3A_42 = vector.multi_reduction <add>, %reduce_sum3A, %reduce_sum3A_41 [1, 2] : vector<1x64x128xi32> to vector<1xi32>
    %reduce_sum3A_43 = vector.shape_cast %reduce_sum3A_42 : vector<1xi32> to vector<1x1x1xi32>
    %reduce_sum3A_44 = vector.extract %reduce_sum3A_43[0, 0, 0] : i32 from vector<1x1x1xi32>
    %sub3A_45 = arith.constant 2048 : i32
    %sub3A_46 = arith.subi %sub3A_45, %reduce_sum3A_44 : i32
    %convert_element_type3A_47 = arith.sitofp %sub3A_46 : i32 to f32
    %eq3A_48 = vector.broadcast %scan3A_38#0 : i32 to vector<64x128xi32>
    %eq3A_49 = arith.cmpi eq, %select_n3A_32, %eq3A_48 : vector<64x128xi32>
    %convert_element_type3A_50 = arith.extui %eq3A_49 : vector<64x128xi1> to vector<64x128xi32>
    %convert_element_type3A_51 = arith.sitofp %convert_element_type3A_50 : vector<64x128xi32> to vector<64x128xf32>
    %lt3A_52 = vector.broadcast %scan3A_38#0 : i32 to vector<64x128xi32>
    %lt3A_53 = arith.cmpi ult, %select_n3A_32, %lt3A_52 : vector<64x128xi32>
    %convert_element_type3A_54 = arith.extui %lt3A_53 : vector<64x128xi1> to vector<64x128xi32>
    %convert_element_type3A_55 = arith.sitofp %convert_element_type3A_54 : vector<64x128xi32> to vector<64x128xf32>
    %iota3A_56 = tpu.iota {dimensions = array<i32: 0>} : vector<128x128xi32>
    %iota3A_57 = tpu.iota {dimensions = array<i32: 1>} : vector<128x128xi32>
    %le3A = arith.cmpi sle, %iota3A_56, %iota3A_57 : vector<128x128xi32>
    %convert_element_type3A_58 = arith.extui %le3A : vector<128x128xi1> to vector<128x128xi32>
    %convert_element_type3A_59 = arith.sitofp %convert_element_type3A_58 : vector<128x128xi32> to vector<128x128xf32>
    %iota3A_60 = tpu.iota {dimensions = array<i32: 0>} : vector<64x64xi32>
    %iota3A_61 = tpu.iota {dimensions = array<i32: 1>} : vector<64x64xi32>
    %lt3A_62 = arith.cmpi slt, %iota3A_61, %iota3A_60 : vector<64x64xi32>
    %convert_element_type3A_63 = arith.extui %lt3A_62 : vector<64x64xi1> to vector<64x64xi32>
    %convert_element_type3A_64 = arith.sitofp %convert_element_type3A_63 : vector<64x64xi32> to vector<64x64xf32>
    %dot_general3A = arith.constant dense<0.000000e+00> : vector<64x128xf32>
    %dot_general3A_65 = tpu.matmul %convert_element_type3A_51, %convert_element_type3A_59, %dot_general3A {dimension_numbers = #tpu.dot_dimension_numbers<[1], [0], [0], [1], [0, 0, 1, 1], [], []>, transpose_lhs_hint = false} : vector<64x128xf32>, vector<128x128xf32>, vector<64x128xf32> -> vector<64x128xf32>
    %reduce_sum3A_66 = arith.constant dense<0.000000e+00> : vector<64xf32>
    %reduce_sum3A_67 = vector.multi_reduction <add>, %convert_element_type3A_51, %reduce_sum3A_66 [1] : vector<64x128xf32> to vector<64xf32>
    %broadcast_in_dim3A_68 = vector.shape_cast %reduce_sum3A_67 : vector<64xf32> to vector<64x1xf32>
    %dot_general3A_69 = arith.constant dense<0.000000e+00> : vector<64x1xf32>
    %dot_general3A_70 = tpu.matmul %convert_element_type3A_64, %broadcast_in_dim3A_68, %dot_general3A_69 {dimension_numbers = #tpu.dot_dimension_numbers<[1], [0], [0], [1], [0, 0, 1, 1], [], []>, transpose_lhs_hint = false} : vector<64x64xf32>, vector<64x1xf32>, vector<64x1xf32> -> vector<64x1xf32>
    %sub3A_71 = arith.subf %dot_general3A_65, %convert_element_type3A_51 : vector<64x128xf32>
    %add3A_72 = vector.broadcast %dot_general3A_70 : vector<64x1xf32> to vector<64x128xf32>
    %add3A_73 = arith.addf %sub3A_71, %add3A_72 : vector<64x128xf32>
    %lt3A_74 = vector.broadcast %convert_element_type3A_47 : f32 to vector<64x128xf32>
    %lt3A_75 = arith.cmpf olt, %add3A_73, %lt3A_74 : vector<64x128xf32>
    %convert_element_type3A_76 = arith.extui %lt3A_75 : vector<64x128xi1> to vector<64x128xi32>
    %convert_element_type3A_77 = arith.sitofp %convert_element_type3A_76 : vector<64x128xi32> to vector<64x128xf32>
    %mul3A_78 = arith.mulf %convert_element_type3A_51, %convert_element_type3A_77 : vector<64x128xf32>
    %max3A = arith.maximumf %convert_element_type3A_55, %mul3A_78 : vector<64x128xf32>
    %dot_general3A_79 = arith.constant dense<0.000000e+00> : vector<64x128xf32>
    %dot_general3A_80 = tpu.matmul %max3A, %convert_element_type3A_59, %dot_general3A_79 {dimension_numbers = #tpu.dot_dimension_numbers<[1], [0], [0], [1], [0, 0, 1, 1], [], []>, transpose_lhs_hint = false} : vector<64x128xf32>, vector<128x128xf32>, vector<64x128xf32> -> vector<64x128xf32>
    %reduce_sum3A_81 = arith.constant dense<0.000000e+00> : vector<64xf32>
    %reduce_sum3A_82 = vector.multi_reduction <add>, %max3A, %reduce_sum3A_81 [1] : vector<64x128xf32> to vector<64xf32>
    %broadcast_in_dim3A_83 = vector.shape_cast %reduce_sum3A_82 : vector<64xf32> to vector<64x1xf32>
    %dot_general3A_84 = arith.constant dense<0.000000e+00> : vector<64x1xf32>
    %dot_general3A_85 = tpu.matmul %convert_element_type3A_64, %broadcast_in_dim3A_83, %dot_general3A_84 {dimension_numbers = #tpu.dot_dimension_numbers<[1], [0], [0], [1], [0, 0, 1, 1], [], []>, transpose_lhs_hint = false} : vector<64x64xf32>, vector<64x1xf32>, vector<64x1xf32> -> vector<64x1xf32>
    %sub3A_86 = arith.subf %dot_general3A_80, %max3A : vector<64x128xf32>
    %add3A_87 = vector.broadcast %dot_general3A_85 : vector<64x1xf32> to vector<64x128xf32>
    %add3A_88 = arith.addf %sub3A_86, %add3A_87 : vector<64x128xf32>
    %gt3A_89 = arith.constant 0.000000e+00 : f32
    %gt3A_90 = vector.broadcast %gt3A_89 : f32 to vector<64x128xf32>
    %gt3A_91 = arith.cmpf ogt, %max3A, %gt3A_90 : vector<64x128xf32>
    %jit3A_92 = arith.constant -1.000000e+00 : f32
    %broadcast_in_dim3A_93 = vector.broadcast %jit3A_92 : f32 to vector<64x128xf32>
    %select_n3A_94 = arith.select %gt3A_91, %add3A_88, %broadcast_in_dim3A_93 : vector<64x128xi1>, vector<64x128xf32>
    %swap3A = arith.constant 0 : index
    %swap3A_95 = arith.constant 0 : index
    %swap3A_96 = vector.load %arg4[%swap3A, %swap3A_95] : memref<64x128xf32, #tpu.memory_space<vmem>>, vector<64x128xf32>
    tpu.vector_store %arg4[%swap3A, %swap3A_95], %select_n3A_94 {strides = array<i32>} : memref<64x128xf32, #tpu.memory_space<vmem>>, vector<64x128xf32>,
    %iota3A_97 = tpu.iota {dimensions = array<i32: 0>} : vector<16x128xi32>
    %iota3A_98 = tpu.iota {dimensions = array<i32: 1>} : vector<16x128xi32>
    %mul3A_99 = arith.constant 128 : i32
    %mul3A_100 = vector.broadcast %mul3A_99 : i32 to vector<16x128xi32>
    %mul3A_101 = arith.muli %iota3A_97, %mul3A_100 : vector<16x128xi32>
    %add3A_102 = arith.addi %mul3A_101, %iota3A_98 : vector<16x128xi32>
    %convert_element_type3A_103 = arith.sitofp %add3A_102 : vector<16x128xi32> to vector<16x128xf32>
    %iota3A_104 = tpu.iota {dimensions = array<i32: 1>} : vector<1x128xi32>
    %broadcast_in_dim3A_105 = arith.constant 0.000000e+00 : f32
    %broadcast_in_dim3A_106 = vector.broadcast %broadcast_in_dim3A_105 : f32 to vector<16x128xf32>
    %scan3A_107 = arith.constant 0 : i32
    %scan3A_108 = arith.constant 64 : i32
    %scan3A_109 = arith.addi %scan3A_107, %scan3A_108 : i32
    %scan3A_110 = arith.constant 1 : i32
    %scan3A_111 = scf.for %scan3A_117 = %scan3A_107 to %scan3A_109 step %scan3A_110 iter_args(%scan3A_118 = %broadcast_in_dim3A_106) -> (vector<16x128xf32>)  : i32 {
      %get3A_119 = arith.index_cast %scan3A_117 : i32 to index
      %get3A_120 = arith.constant 0 : index
      %get3A_121 = vector.load %arg4[%get3A_119, %get3A_120] : memref<64x128xf32, #tpu.memory_space<vmem>>, vector<1x128xf32>
      %mul3A_122 = arith.constant 128 : i32
      %mul3A_123 = arith.muli %scan3A_117, %mul3A_122 : i32
      %add3A_124 = vector.broadcast %mul3A_123 : i32 to vector<1x128xi32>
      %add3A_125 = arith.addi %add3A_124, %iota3A_104 : vector<1x128xi32>
      %convert_element_type3A_126 = arith.sitofp %add3A_125 : vector<1x128xi32> to vector<1x128xf32>
      %broadcast_in_dim3A_127 = vector.shape_cast %get3A_121 : vector<1x128xf32> to vector<1x1x128xf32>
      %broadcast_in_dim3A_128 = vector.shape_cast %convert_element_type3A_103 : vector<16x128xf32> to vector<16x128x1xf32>
      %eq3A_129 = vector.broadcast %broadcast_in_dim3A_127 : vector<1x1x128xf32> to vector<16x128x128xf32>
      %eq3A_130 = vector.broadcast %broadcast_in_dim3A_128 : vector<16x128x1xf32> to vector<16x128x128xf32>
      %eq3A_131 = arith.cmpf oeq, %eq3A_129, %eq3A_130 : vector<16x128x128xf32>
      %convert_element_type3A_132 = arith.extui %eq3A_131 : vector<16x128x128xi1> to vector<16x128x128xi32>
      %convert_element_type3A_133 = arith.sitofp %convert_element_type3A_132 : vector<16x128x128xi32> to vector<16x128x128xf32>
      %broadcast_in_dim3A_134 = vector.shape_cast %convert_element_type3A_126 : vector<1x128xf32> to vector<1x1x128xf32>
      %mul3A_135 = vector.broadcast %broadcast_in_dim3A_134 : vector<1x1x128xf32> to vector<16x128x128xf32>
      %mul3A_136 = arith.mulf %convert_element_type3A_133, %mul3A_135 : vector<16x128x128xf32>
      %reduce_sum3A_137 = arith.constant dense<0.000000e+00> : vector<16x128xf32>
      %reduce_sum3A_138 = vector.multi_reduction <add>, %mul3A_136, %reduce_sum3A_137 [2] : vector<16x128x128xf32> to vector<16x128xf32>
      %add3A_139 = arith.addf %scan3A_118, %reduce_sum3A_138 : vector<16x128xf32>
      scf.yield %add3A_139 : vector<16x128xf32>
    }
    %scan3A_112 = arith.constant 64 : i32
    %convert_element_type3A_113 = arith.fptosi %scan3A_111 : vector<16x128xf32> to vector<16x128xi32>
    %swap3A_114 = arith.constant 0 : index
    %swap3A_115 = arith.constant 0 : index
    %swap3A_116 = vector.load %arg3[%swap3A_114, %swap3A_115] : memref<16x128xi32, #tpu.memory_space<vmem>>, vector<16x128xi32>
    tpu.vector_store %arg3[%swap3A_114, %swap3A_115], %convert_element_type3A_113 {strides = array<i32>} : memref<16x128xi32, #tpu.memory_space<vmem>>, vector<16x128xi32>,
    return
  }
}

</mosaic_0001>

<sc_bundles>
// kernel: branch_1_fun.4.cloned.1.call-start
scs
__scs_entry_jumppad:
0x0: {  	(pc) =	sbr.rel $0x88, $3  }
0x1: {  	(tag) =	ssettag $0x0;
	lr =	simm.s32 $0x1  }
0x2: {  	[smem:$0x3F9F] =	sst lr;
	_ =	strace $0xD0000000  }
0x3: {  	_ = 	snop  }
0x4: {  	_ = 	snop  }
0x5: {  	_ = 	snop  }
0x6: {  	_ = 	snop  }
0x7: {  	_ = 	snop  }
__scs_overlays_trampoline_lowered:
0x8: {  	[smem:$0x3FAE] =	sst s0  }
0x9: {  	[smem:$0x3FAF] =	sst s1  }
0xa: {  	[smem:$0x3FB0] =	sst s2  }
0xb: {  	[smem:$0x3FB1] =	sst s3  }
0xc: {  	[smem:$0x3FB2] =	sst s4  }
0xd: {  	[smem:$0x3FB3] =	sst s5  }
0xe: {  	[smem:$0x3FB4] =	sst s6  }
0xf: {  	[smem:$0x3FB5] =	sst s7  }
0x10: {  	[smem:$0x3FB6] =	sst s8  }
0x11: {  	[smem:$0x3FB7] =	sst s9;
	s0 =	simm.s32 @!p0 $0x0  }
0x12: {  	s1 =	sld [smem:$0x3F9D];
	s0 =	simm.s32 @p0 $0x1  }
0x13: {  	[smem:$0x3FB8] =	sst s0;
	s0 =	simm.s32 @!p1 $0x0  }
0x14: {  	s2 =	sld [smem:$0x3F9C];
	s0 =	simm.s32 @p1 $0x1  }
0x15: {  	[smem:$0x3FB9] =	sst s0;
	s0 =	simm.s32 @!p2 $0x0  }
0x16: {  	s3 =	sld [smem:$0x3FDB];
	s0 =	simm.s32 @p2 $0x1  }
0x17: {  	s4 =	simm.s32 $0x1BF5;
	[smem:$0x3FBB] =	sst s0  }
0x18: {  	s0 =	sld [smem:$0x3F9E];
	_ =	swait.ge [sflag:s4], $0x0  }
0x19: {  	s7 =	sld [smem:$0x3F9F]  }
0x1a: {  	s8 =	sadd.s32 $0xFFFFE003, lr  }
0x1b: {  	s9 =	sadd.s32 $0xFFFFFEF7, lr;
	s5 =	simm.s32 $0xFFFFFFFF;
	p2 =	slt.u32 s8, $0xFFFFF086  }
0x1c: {  	p1 =	slt.u32 s9, $0xF7A;
	s5 =	simm.s32 @!p2 $0x0  }
0x1d: {  	s5 =	simm.s32 @p1 $0x1;
	p0 =	seq.s32 s7, s2  }
0x1e: {  	s7 =	smul.u32 @!p0 $0xF7A, s2;
	p2 =	seq.s32 @!p0 s5, $0x0  }
0x1f: {  	s9 =	smul.u32 $0xF7A, s1;
	s8 =	simm.s32 @!p0 $0x1BF5;
	p2 =	por !p2, p0  }
0x20: {  	[sflag:s8] =	ssyncset.s32 @!p0 $0xFFFFF086;
	s6 =	sadd.s32 @!p0 s3, s7;
	s7 =	simm.s32 @!p0 $0x108  }
0x21: {  	s3 =	sadd.s32 s3, s9;
	s6 =	sadd.s32 @!p0 $0x88, s6;
	s7 =	simm.s32 @p2 $0x1082  }
0x22: {  	[simem:s7], [sflag:s8] =	dma.local @!p0 [hbm:s6], $0xF7A  }
0x23: {  	s9 =	sor.u32 $0xD0000000, s2;
	s6 =	simm.s32 $0x108;
	_ =	swait.ge @!p0 [sflag:s8], $0x0  }
0x24: {  	s3 =	sadd.s32 $0x88, s3;
	s6 =	simm.s32 @!p1 $0x1082;
	[sflag:s4] =	ssyncset.s32 $0xFFFFF086  }
0x25: {  	[simem:s6], [sflag:s4] =	dma.local [hbm:s3], $0xF7A  }
0x26: {  	[smem:$0x3F9F] =	sst s1;
	(tag) =	ssettag s2;
	_ =	strace s9  }
0x27: {  	s1 =	sld [smem:$0x3FAF]  }
0x28: {  	s2 =	sld [smem:$0x3FB0]  }
0x29: {  	s4 =	sld [smem:$0x3FB2]  }
0x2a: {  	p0 =	seq.s32 s5, $0x0;
	s5 =	sld [smem:$0x3FB3]  }
0x2b: {  	s6 =	sld [smem:$0x3FB4]  }
0x2c: {  	s7 =	sld [smem:$0x3FB5]  }
0x2d: {  	s3 =	simm.s32 $0x108;
	s8 =	sld [smem:$0x3FB6]  }
0x2e: {  	s3 =	simm.s32 @!p0 $0x1082;
	s9 =	sld [smem:$0x3FB7]  }
0x2f: {  	lr =	sadd.s32 s0, s3;
	s0 =	sld [smem:$0x3FAE]  }
0x30: {  	s3 =	sld [smem:$0x3FB1]  }
0x31: {  	[smem:$0x3FBA] =	sst s10  }
0x32: {  	s10 =	sld [smem:$0x3FB8];
	_ =	sdelay $0x3  }
0x33: {  	p0 =	seq.s32 s10, $0x1;
	s10 =	sld [smem:$0x3FBA];
	_ =	sdelay $0x3  }
0x34: {  	[smem:$0x3FBA] =	sst s10  }
0x35: {  	s10 =	sld [smem:$0x3FB9];
	_ =	sdelay $0x3  }
0x36: {  	p1 =	seq.s32 s10, $0x1;
	s10 =	sld [smem:$0x3FBA];
	_ =	sdelay $0x3  }
0x37: {  	[smem:$0x3FBA] =	sst s10  }
0x38: {  	s10 =	sld [smem:$0x3FBB]  }
0x39: {  	_ = 	snop;
	(pc) =	sbr.ind lr, $3  }
0x3a: {  	_ = 	snop  }
0x3b: {  	_ = 	snop  }
0x3c: {  	p2 =	seq.s32 s10, $0x1;
	s10 =	sld [smem:$0x3FBA]  }
0x3d: {  	_ =	shalt  }
0x3e: {  	_ =	shalt  }
0x3f: {  	_ =	shalt  }
0x40: {  	_ =	shalt  }
0x41: {  	_ =	shalt  }
0x42: {  	_ =	shalt  }
0x43: {  	_ =	shalt  }
0x44: {  	_ =	shalt  }
0x45: {  	_ =	shalt  }
0x46: {  	_ =	shalt  }
0x47: {  	_ =	shalt  }
0x48: {  	_ =	shalt  }
0x49: {  	_ =	shalt  }
0x4a: {  	_ =	shalt  }
0x4b: {  	_ =	shalt  }
0x4c: {  	_ =	shalt  }
0x4d: {  	_ =	shalt  }
0x4e: {  	_ =	shalt  }
0x4f: {  	_ =	shalt  }
0x50: {  	_ =	shalt  }
0x51: {  	_ =	shalt  }
0x52: {  	_ =	shalt  }
0x53: {  	_ =	shalt  }
0x54: {  	_ =	shalt  }
0x55: {  	_ =	shalt  }
0x56: {  	_ =	shalt  }
0x57: {  	_ =	shalt  }
0x58: {  	_ =	shalt  }
0x59: {  	_ =	shalt  }
0x5a: {  	_ =	shalt  }
0x5b: {  	_ =	shalt  }
0x5c: {  	_ =	shalt  }
0x5d: {  	_ =	shalt  }
0x5e: {  	_ =	shalt  }
0x5f: {  	_ =	shalt  }
0x60: {  	_ =	shalt  }
0x61: {  	_ =	shalt  }
0x62: {  	_ =	shalt  }
0x63: {  	_ =	shalt  }
0x64: {  	_ =	shalt  }
0x65: {  	_ =	shalt  }
0x66: {  	_ =	shalt  }
0x67: {  	_ =	shalt  }
0x68: {  	_ =	shalt  }
0x69: {  	_ =	shalt  }
0x6a: {  	_ =	shalt  }
0x6b: {  	_ =	shalt  }
0x6c: {  	_ =	shalt  }
0x6d: {  	_ =	shalt  }
0x6e: {  	_ =	shalt  }
0x6f: {  	_ =	shalt  }
0x70: {  	_ =	shalt  }
0x71: {  	_ =	shalt  }
0x72: {  	_ =	shalt  }
0x73: {  	_ =	shalt  }
0x74: {  	_ =	shalt  }
0x75: {  	_ =	shalt  }
0x76: {  	_ =	shalt  }
0x77: {  	_ =	shalt  }
0x78: {  	_ =	shalt  }
0x79: {  	_ =	shalt  }
0x7a: {  	_ =	shalt  }
0x7b: {  	_ =	shalt  }
0x7c: {  	_ =	shalt  }
0x7d: {  	_ =	shalt  }
0x7e: {  	_ =	shalt  }
0x7f: {  	_ =	shalt  }
0x80: {  	_ =	shalt  }
0x81: {  	_ =	shalt  }
0x82: {  	_ =	shalt  }
0x83: {  	_ =	shalt  }
0x84: {  	_ =	shalt  }
0x85: {  	_ =	shalt  }
0x86: {  	_ =	shalt  }
0x87: {  	_ =	shalt  }
.Lfunc_end0:
.L_simem_size_0:
called_computation_lowered:
.L_overlay_start_0:
0x88: {  	s2 =	sld [smem:$0x3FD9]  }
0x89: {  	s3 =	sld [smem:$0x3FFE];
	_ =	sdelay $0x1  }
0x8a: {  	s1 =	srdreg.scid  }
0x8b: {  	s0 =	sand.u32 $0x1, s1  }
0x8c: {  	s14 =	sshll.u32 s0, $0xA;
	s2 =	sadd.s32 s3, s2  }
0x8d: {  	s2 =	sadd.s32 s2, s14  }
0x8e: {  	[smem:$0x3FC6] =	sst s2  }
0x8f: {  	_ = 	snop  }
0x90: {  	s2 =	sld [smem:$0x3FD0];
	_ =	sdelay $0x2  }
0x91: {  	s15 =	simm.s32 $0xA;
	s4 =	simm.s32 $0x10  }
0x92: {  	[smem:s4], [sflag:s15] =	dma.local [hbm:s2], $0x1  }
0x93: {  	_ =	swait.eq [sflag:s15], $0x1  }
0x94: {  	[sflag:s15] =	ssyncset.done $0x0  }
0x95: {  	s16 =	sld [smem:$0x10];
	[sflag:s15] =	ssyncadd.s32 $0xFFFFFFFF  }
0x96: {  	s17 =	sld [smem:$0x11];
	(tm) =	ssettm $0x1  }
0x97: {  	s18 =	sld [smem:$0x3FFB];
	_ =	sdelay $0x3  }
0x98: {  	_ =	strace s18  }
0x99: {  	s4 =	sld [smem:$0x3FFC];
	_ =	sdelay $0x3  }
0x9a: {  	_ =	strace s4  }
0x9b: {  	s4 =	sld [smem:$0x3FFD];
	_ =	sdelay $0x3  }
0x9c: {  	_ =	strace s4  }
0x9d: {  	_ =	strace $0x8FFFFFFF  }
0x9e: {  	s19 =	sld [smem:$0x3FDB];
	_ =	sdelay $0x1  }
0x9f: {  	s5 =	simm.s32 $_scs_section_size  }
0xa0: {  	s6 =	simm.s32 $_size__tile_overlayer_lowered;
	s7 =	simm.s32 $_tile_overlayer_lowered  }
0xa1: {  	s22 =	simm.s32 $0x1BFF;
	s21 =	sshll.u32 s7, $0x1;
	s4 =	sadd.s32 s5, s19  }
0xa2: {  	s8 =	simm.s32 $0x0;
	s20 =	sshll.u32 s6, $0x1;
	s6 =	sadd.s32 s21, s4  }
0xa3: {  	[timem:s8], [sflag:s22] =	dma.local [hbm:s6], s20  }
0xa4: {  	_ =	swait.ge [sflag:s22], s20  }
0xa5: {  	s5 =	ssub.s32 $0x0, s20;
	[sflag:s22] =	ssyncset.done $0x0  }
0xa6: {  	[sflag:s22] =	ssyncadd.s32 s5;
	_ =	sdelay $0x1  }
0xa7: {  	s23 =	simm.s32 $0x1B8B  }
0xa8: {  	_ =	swait.ge [sflag:s23], $0x1  }
0xa9: {  	[sflag:s23] =	ssyncset.done $0x0  }
0xaa: {  	s25 =	simm.s32 $0x1B8E;
	s24 =	sld [smem:$0x3FFE];
	[sflag:s23] =	ssyncadd.s32 $0xFFFFFFFF  }
0xab: {  	s26 =	simm.s32 $execute0_lowered;
	[smem:$0x3FD2] =	sst s25  }
0xac: {  	s6 =	sshll.u32 s26, $0x1;
	_ =	strace $0x80000046;
	[dreg:$0x1] =	wrdreg $0xFFFFFFFF  }
0xad: {  	s28 =	simm.s32 $_size_execute0_lowered;
	s4 =	sadd.s32 s4, s6;
	[dreg:$0x0] =	wrdreg $0x0  }
0xae: {  	s6 =	sshll.u32 s28, $0x1;
	[dreg:$0x2] =	wrdreg s4  }
0xaf: {  	[dreg:$0x3] =	wrdreg s6  }
0xb0: {  	[dreg:$0x4] =	wrdreg $0xC0  }
0xb1: {  	_ =	task [dreg:s8], $0x5FFFF  }
0xb2: {  	[dreg:$0x1] =	wrdreg $0xFFFFFFFF  }
0xb3: {  	[dreg:$0x0] =	wrdreg $0x60  }
0xb4: {  	[dreg:$0x2] =	wrdreg s24  }
0xb5: {  	[dreg:$0x3] =	wrdreg s16  }
0xb6: {  	[dreg:$0x4] =	wrdreg s17  }
0xb7: {  	[dreg:$0x5] =	wrdreg $0x9  }
0xb8: {  	_ =	task.clear_ibuf [dreg:s8], $0x6FFFF;
	_ =	strace $0x90000046  }
0xb9: {  	s29 =	simm.s32 $0x9;
	_ =	strace $0x80000048  }
0xba: {  	_ =	swait.ge [sflag:s29], $0x1  }
0xbb: {  	[sflag:s29] =	ssyncadd.s32 $0xFFFFFFFF  }
0xbc: {  	_ =	strace $0x90000048  }
0xbd: {  	_ =	sfence  }
0xbe: {  	s30 =	sld [smem:$0x0];
	_ =	sdelay $0x2  }
0xbf: {  	s31 =	sshll.u32 s1, $0xD;
	s1 =	sshrl.u32 s1, $0x2  }
0xc0: {  	s3 =	sand.u32 $0x4000, s31;
	s1 =	sadd.s32 s1, s30  }
0xc1: {  	s0 =	sor.u32 s3, s0;
	s1 =	sshll.u32 s1, $0x11  }
0xc2: {  	s0 =	sor.u32 s1, s0  }
0xc3: {  	s0 =	sadd.s32 $0x8F2B, s0  }
0xc4: {  	[sflag:s0] =	ssyncadd.remote.s32 $0x1  }
0xc5: {  	_ =	sfence.sel $0xFFFF  }
0xc6: {  	[dreg:$0x0] =	wrdreg $0xFFFFFFFF;
	(pc) =	sbr.abs _section_cstart, $3  }
0xc7: {  	[dreg:$0x1] =	wrdreg $0xFFFFFFFF  }
0xc8: {  	_ =	task.clear_ibuf [dreg:s8], $0x2FFFF;
	_ =	strace $0x9FFFFFFF  }
0xc9: {  	(tm) =	ssettm $0x7FFFFFFF  }
tec
execute0_lowered:
.L_overlay_start_1:
0x0: {  	(tag) =	ssettag $0x1  }
0x1: {  	s0 =	rddreg [dreg:$0x0]  }
0x2: {  	s3 =	rddreg [dreg:$0x1];
	s2 =	srdreg.scid  }
0x3: {  	s4 =	stileid.u32;
	s1 =	rddreg [dreg:$0x2];
	s31 =	simm.s32 $0x6  }
0x4: {  	s30 =	simm.s32 $0x10080;
	s6 =	sand.u32 $0x1, s2;
	s4 =	sshll.u32 s4, $0x1  }
0x5: {  	p0 =	por $0x0, $0x0;
	s2 =	simm.s32 $0x0;
	s5 =	sor.u32 s6, s4  }
0x6: {  	s8 =	sadd.s32 $0x401600, s0;
	[smem:$0x7FF] =	sst s2;
	s4 =	smul.u32 $0x60000, s5  }
0x7: {  	s6 =	ssub.s32 $0x2, s6;
	_ =	strace $0x80000047;
	s7 =	sshll.u32 s5, $0x3  }
0x8: {  	[dreg:$0x4] =	wrdreg s8;
	s7 =	sadd.s32 s7, s0;
	s4 =	sshrl.u32 s4, $0x3  }
0x9: {  	s8 =	sadd.s32 $0x1400, s0;
	s7 =	sadd.s32 $0x401400, s7;
	s26 =	sadd.s32 $0x80000, s4  }
0xa: {  	[dreg:$0x5] =	wrdreg s7;
	s9 =	sadd.s32 $0x81000, s4;
	s14 =	sadd.s32 s3, s26  }
0xb: {  	s10 =	sadd.s32 $0x82000, s4;
	s15 =	sadd.s32 s3, s9;
	[dreg:$0x6] =	wrdreg s14  }
0xc: {  	s11 =	sadd.s32 $0x83000, s4;
	s16 =	sadd.s32 s3, s10;
	[dreg:$0x7] =	wrdreg s15  }
0xd: {  	s12 =	sadd.s32 $0x84000, s4;
	s17 =	sadd.s32 s3, s11;
	[dreg:$0x8] =	wrdreg s16  }
0xe: {  	s13 =	sadd.s32 $0x85000, s4;
	s18 =	sadd.s32 s3, s12;
	[dreg:$0x9] =	wrdreg s17  }
0xf: {  	s19 =	sadd.s32 s3, s13;
	s25 =	sadd.s32 s1, s26;
	[dreg:$0xa] =	wrdreg s18  }
0x10: {  	s26 =	sadd.s32 s1, s9;
	s9 =	sadd.s32 s1, s10;
	[dreg:$0xb] =	wrdreg s19  }
0x11: {  	s10 =	sadd.s32 s1, s11;
	s11 =	sshrl.u32 s6, $0x1;
	[dreg:$0x12] =	wrdreg s25  }
0x12: {  	s12 =	sadd.s32 s1, s12;
	s13 =	sadd.s32 s1, s13;
	[dreg:$0x13] =	wrdreg s26  }
0x13: {  	s14 =	sadd.s32 $0x86000, s4;
	s15 =	sadd.s32 $0x87000, s4;
	[dreg:$0x14] =	wrdreg s9  }
0x14: {  	s16 =	sadd.s32 $0x88000, s4;
	s17 =	sadd.s32 $0x89000, s4;
	[dreg:$0x15] =	wrdreg s10  }
0x15: {  	s18 =	sadd.s32 $0x8A000, s4;
	s19 =	sadd.s32 $0x8B000, s4;
	[dreg:$0x16] =	wrdreg s12  }
0x16: {  	s7 =	ssub.s32 s6, s11;
	[dreg:$0x17] =	wrdreg s13;
	s13 =	simm.s32 $0x10  }
0x17: {  	s11 =	simm.s32 $0x80;
	s9 =	simm.s32 $0x4;
	s20 =	sadd.s32 s3, s14  }
0x18: {  	s10 =	simm.s32 $0x5;
	s21 =	sadd.s32 s3, s15;
	[dreg:$0xc] =	wrdreg s20  }
0x19: {  	s22 =	sadd.s32 s3, s16;
	s23 =	sadd.s32 s3, s17;
	[dreg:$0xd] =	wrdreg s21  }
0x1a: {  	s24 =	sadd.s32 s3, s18;
	s4 =	sadd.s32 s3, s19;
	[dreg:$0xe] =	wrdreg s22  }
0x1b: {  	s25 =	sadd.s32 s1, s16;
	s26 =	sadd.s32 s1, s17;
	[dreg:$0xf] =	wrdreg s23  }
0x1c: {  	s28 =	sadd.s32 s1, s18;
	s29 =	sadd.s32 s1, s19;
	[dreg:$0x10] =	wrdreg s24  }
0x1d: {  	s19 =	smax.u32 s7, $0x1;
	s7 =	simm.s32 $0x8080;
	[dreg:$0x11] =	wrdreg s4  }
0x1e: {  	s4 =	sadd.s32 $0x201400, s0;
	s23 =	sadd.s32 s1, s14;
	s24 =	sadd.s32 s1, s15  }
0x1f: {  	s14 =	sshll.u32 s5, $0xE;
	p1 =	sne.s32 s19, $0x1;
	s0 =	rddreg [dreg:$0x5]  }
0x20: {  	s22 =	sadd.s32 s3, s14;
	s5 =	sor.u32 $0x1000, s14;
	s15 =	sor.u32 $0x2000, s14  }
.Ltmp0:
0x21: {  	s17 =	sor.u32 $0x3000, s14;
	s16 =	sadd.s32 s1, s14;
	(pc) =	sbr.rel @!p1 .LBB2_3-.Ltmp0, $4  }
0x22: {  	s14 =	simm.s32 $0x2;
	s21 =	sadd.s32 s3, s5;
	s20 =	sadd.s32 s3, s15  }
0x23: {  	s18 =	sadd.s32 s3, s17;
	s12 =	sadd.s32 s1, s5;
	s6 =	sadd.s32 s1, s15  }
0x24: {  	s5 =	sadd.s32 s1, s17;
	s1 =	sadd.s32 $0xFFFFFFFF, s19;
	s19 =	simm.s32 $0x20  }
0x25: {  	s15 =	simm.s32 $0x3;
	s17 =	simm.s32 $0x30;
	s3 =	simm.s32 $0x1  }
0x26: {  	[tilespmem:s2], [sflag:$0x6] =	stream.linear.gather [hbm4b:s0+s2], $0x40, $0x38;
	[tilespmem:$0x18080] =	vst v63  }
0x27: {  	_ =	swait.ge [sflag:s31], $0x40  }
0x28: {  	[sflag:s31] =	ssyncset.done $0x0  }
0x29: {  	s0 =	rddreg [dreg:$0x4];
	[sflag:s31] =	ssyncadd.s32 $0xFFFFFFC0  }
0x2a: {  	[tilespmem:s30], [sflag:$0x6] =	stream.linear.gather [hbm4b:s0+s2], $0x8000, $0x38;
	[tilespmem:$0x18080] =	vst v63  }
0x2b: {  	_ =	swait.ge [sflag:s31], $0x8000  }
0x2c: {  	[dreg:$0x18] =	wrdreg s1;
	[sflag:s31] =	ssyncset.done $0x0  }
0x2d: {  	s0 =	rddreg [dreg:$0x6];
	[sflag:s31] =	ssyncadd.s32 $0xFFFF8000  }
0x2e: {  	[hbm4b:s0+s2] =	stream.linear.scatter [tilespmem:s30], [sflag:$0x1], $0x8000, $0x38;
	[tilespmem:$0x18080] =	vst v63  }
0x2f: {  	s1 =	rddreg [dreg:$0x7]  }
0x30: {  	[hbm4b:s1+s2] =	stream.linear.scatter [tilespmem:s30], [sflag:$0x1], $0x8000, $0x38;
	[tilespmem:$0x18080] =	vst v63  }
0x31: {  	s0 =	rddreg [dreg:$0x8]  }
0x32: {  	[hbm4b:s0+s2] =	stream.linear.scatter [tilespmem:s30], [sflag:$0x1], $0x8000, $0x38;
	[tilespmem:$0x18080] =	vst v63  }
0x33: {  	s1 =	rddreg [dreg:$0x9]  }
0x34: {  	[hbm4b:s1+s2] =	stream.linear.scatter [tilespmem:s30], [sflag:$0x1], $0x8000, $0x38;
	[tilespmem:$0x18080] =	vst v63  }
0x35: {  	s0 =	rddreg [dreg:$0xa]  }
0x36: {  	[hbm4b:s0+s2] =	stream.linear.scatter [tilespmem:s30], [sflag:$0x1], $0x8000, $0x38;
	[tilespmem:$0x18080] =	vst v63  }
0x37: {  	s1 =	rddreg [dreg:$0xb]  }
0x38: {  	[hbm4b:s1+s2] =	stream.linear.scatter [tilespmem:s30], [sflag:$0x1], $0x8000, $0x38;
	[tilespmem:$0x18080] =	vst v63  }
0x39: {  	s0 =	rddreg [dreg:$0xc]  }
0x3a: {  	[hbm4b:s0+s2] =	stream.linear.scatter [tilespmem:s30], [sflag:$0x1], $0x8000, $0x38;
	[tilespmem:$0x18080] =	vst v63  }
0x3b: {  	s1 =	rddreg [dreg:$0xd]  }
0x3c: {  	[hbm4b:s1+s2] =	stream.linear.scatter [tilespmem:s30], [sflag:$0x1], $0x8000, $0x38;
	[tilespmem:$0x18080] =	vst v63  }
0x3d: {  	s0 =	rddreg [dreg:$0xe]  }
0x3e: {  	[hbm4b:s0+s2] =	stream.linear.scatter [tilespmem:s30], [sflag:$0x1], $0x8000, $0x38;
	[tilespmem:$0x18080] =	vst v63  }
0x3f: {  	s1 =	rddreg [dreg:$0xf]  }
0x40: {  	[hbm4b:s1+s2] =	stream.linear.scatter [tilespmem:s30], [sflag:$0x1], $0x8000, $0x38;
	[tilespmem:$0x18080] =	vst v63  }
0x41: {  	s0 =	rddreg [dreg:$0x10]  }
0x42: {  	[hbm4b:s0+s2] =	stream.linear.scatter [tilespmem:s30], [sflag:$0x1], $0x8000, $0x38;
	[tilespmem:$0x18080] =	vst v63  }
0x43: {  	s1 =	rddreg [dreg:$0x11]  }
0x44: {  	[hbm4b:s1+s2] =	stream.linear.scatter [tilespmem:s30], [sflag:$0x1], $0x8000, $0x38;
	[tilespmem:$0x18080] =	vst v63  }
0x45: {  	s0 =	rddreg [dreg:$0x12]  }
0x46: {  	[hbm4b:s0+s2] =	stream.linear.scatter [tilespmem:s30], [sflag:$0x1], $0x8000, $0x38;
	[tilespmem:$0x18080] =	vst v63  }
0x47: {  	s1 =	rddreg [dreg:$0x13]  }
0x48: {  	[hbm4b:s1+s2] =	stream.linear.scatter [tilespmem:s30], [sflag:$0x1], $0x8000, $0x38;
	[tilespmem:$0x18080] =	vst v63  }
0x49: {  	s0 =	rddreg [dreg:$0x14]  }
0x4a: {  	[hbm4b:s0+s2] =	stream.linear.scatter [tilespmem:s30], [sflag:$0x1], $0x8000, $0x38;
	[tilespmem:$0x18080] =	vst v63  }
0x4b: {  	s1 =	rddreg [dreg:$0x15]  }
0x4c: {  	[hbm4b:s1+s2] =	stream.linear.scatter [tilespmem:s30], [sflag:$0x1], $0x8000, $0x38;
	[tilespmem:$0x18080] =	vst v63  }
0x4d: {  	s0 =	rddreg [dreg:$0x16]  }
0x4e: {  	[hbm4b:s0+s2] =	stream.linear.scatter [tilespmem:s30], [sflag:$0x1], $0x8000, $0x38;
	[tilespmem:$0x18080] =	vst v63  }
0x4f: {  	s1 =	rddreg [dreg:$0x17]  }
0x50: {  	[hbm4b:s1+s2] =	stream.linear.scatter [tilespmem:s30], [sflag:$0x1], $0x8000, $0x38;
	[tilespmem:$0x18080] =	vst v63  }
0x51: {  	_ = 	snop  }
0x52: {  	[hbm4b:s23+s2] =	stream.linear.scatter [tilespmem:s30], [sflag:$0x1], $0x8000, $0x38;
	[tilespmem:$0x18080] =	vst v63  }
0x53: {  	_ = 	snop  }
0x54: {  	[hbm4b:s24+s2] =	stream.linear.scatter [tilespmem:s30], [sflag:$0x1], $0x8000, $0x38;
	[tilespmem:$0x18080] =	vst v63  }
0x55: {  	_ = 	snop  }
0x56: {  	[hbm4b:s25+s2] =	stream.linear.scatter [tilespmem:s30], [sflag:$0x1], $0x8000, $0x38;
	[tilespmem:$0x18080] =	vst v63  }
0x57: {  	_ = 	snop  }
0x58: {  	[hbm4b:s26+s2] =	stream.linear.scatter [tilespmem:s30], [sflag:$0x1], $0x8000, $0x38;
	[tilespmem:$0x18080] =	vst v63  }
0x59: {  	_ = 	snop  }
0x5a: {  	[hbm4b:s28+s2] =	stream.linear.scatter [tilespmem:s30], [sflag:$0x1], $0x8000, $0x38;
	[tilespmem:$0x18080] =	vst v63  }
0x5b: {  	_ = 	snop  }
0x5c: {  	[hbm4b:s29+s2] =	stream.linear.scatter [tilespmem:s30], [sflag:$0x1], $0x8000, $0x38;
	[tilespmem:$0x18080] =	vst v63  }
0x5d: {  	_ = 	snop  }
0x5e: {  	[tilespmem:s11], [sflag:$0x2] =	stream.indirect.gather [hbm4b:s8+s13], $0x800, s2, s13, $0xb8;
	[tilespmem:$0x18080] =	vst v63  }
0x5f: {  	_ = 	snop  }
0x60: {  	[tilespmem:s7], [sflag:$0x3] =	stream.indirect.gather [hbm4b:s8+s13], $0x800, s13, s13, $0xb8;
	[tilespmem:$0x18080] =	vst v63  }
0x61: {  	_ =	swait.ge [sflag:s14], $0x8000  }
0x62: {  	[sflag:s14] =	ssyncset.done $0x0  }
0x63: {  	[sflag:s14] =	ssyncadd.s32 $0xFFFF8000  }
0x64: {  	[hbm4b:s22+s2] =	stream.linear.scatter [tilespmem:s11], [sflag:$0x4], $0x8000, $0x38;
	[tilespmem:$0x18080] =	vst v63  }
0x65: {  	_ =	swait.ge [sflag:s9], $0x8000  }
0x66: {  	[sflag:s9] =	ssyncset.done $0x0  }
0x67: {  	[sflag:s9] =	ssyncadd.s32 $0xFFFF8000  }
0x68: {  	[tilespmem:s11], [sflag:$0x2] =	stream.indirect.gather [hbm4b:s8+s13], $0x800, s19, s13, $0xb8;
	[tilespmem:$0x18080] =	vst v63  }
0x69: {  	_ =	swait.ge [sflag:s15], $0x8000  }
0x6a: {  	[sflag:s15] =	ssyncset.done $0x0  }
0x6b: {  	[sflag:s15] =	ssyncadd.s32 $0xFFFF8000  }
0x6c: {  	[hbm4b:s21+s2] =	stream.linear.scatter [tilespmem:s7], [sflag:$0x5], $0x8000, $0x38;
	[tilespmem:$0x18080] =	vst v63  }
0x6d: {  	_ =	swait.ge [sflag:s10], $0x8000  }
0x6e: {  	[sflag:s10] =	ssyncset.done $0x0  }
0x6f: {  	[sflag:s10] =	ssyncadd.s32 $0xFFFF8000  }
0x70: {  	[tilespmem:s7], [sflag:$0x3] =	stream.indirect.gather [hbm4b:s8+s13], $0x800, s17, s13, $0xb8;
	[tilespmem:$0x18080] =	vst v63  }
0x71: {  	_ =	swait.ge [sflag:s14], $0x8000  }
0x72: {  	[sflag:s14] =	ssyncset.done $0x0  }
0x73: {  	[sflag:s14] =	ssyncadd.s32 $0xFFFF8000  }
0x74: {  	[hbm4b:s20+s2] =	stream.linear.scatter [tilespmem:s11], [sflag:$0x4], $0x8000, $0x38;
	[tilespmem:$0x18080] =	vst v63  }
0x75: {  	_ =	swait.ge [sflag:s9], $0x8000  }
0x76: {  	[sflag:s9] =	ssyncset.done $0x0  }
0x77: {  	[sflag:s9] =	ssyncadd.s32 $0xFFFF8000  }
0x78: {  	[tilespmem:s11], [sflag:$0x2] =	stream.indirect.gather [hbm4b:s4+s13], $0x800, s2, s13, $0xb8;
	[tilespmem:$0x18080] =	vst v63  }
0x79: {  	_ =	swait.ge [sflag:s15], $0x8000  }
0x7a: {  	[sflag:s15] =	ssyncset.done $0x0  }
0x7b: {  	[sflag:s15] =	ssyncadd.s32 $0xFFFF8000  }
0x7c: {  	[hbm4b:s18+s2] =	stream.linear.scatter [tilespmem:s7], [sflag:$0x5], $0x8000, $0x38;
	[tilespmem:$0x18080] =	vst v63  }
0x7d: {  	_ =	swait.ge [sflag:s10], $0x8000  }
0x7e: {  	[sflag:s10] =	ssyncset.done $0x0  }
0x7f: {  	[sflag:s10] =	ssyncadd.s32 $0xFFFF8000  }
0x80: {  	[tilespmem:s7], [sflag:$0x3] =	stream.indirect.gather [hbm4b:s4+s13], $0x800, s13, s13, $0xb8;
	[tilespmem:$0x18080] =	vst v63  }
0x81: {  	_ =	swait.ge [sflag:s14], $0x8000  }
0x82: {  	[sflag:s14] =	ssyncset.done $0x0  }
0x83: {  	[sflag:s14] =	ssyncadd.s32 $0xFFFF8000  }
0x84: {  	[hbm4b:s16+s2] =	stream.linear.scatter [tilespmem:s11], [sflag:$0x4], $0x8000, $0x38;
	[tilespmem:$0x18080] =	vst v63  }
0x85: {  	_ =	swait.ge [sflag:s9], $0x8000  }
0x86: {  	[sflag:s9] =	ssyncset.done $0x0  }
0x87: {  	[sflag:s9] =	ssyncadd.s32 $0xFFFF8000  }
0x88: {  	[tilespmem:s11], [sflag:$0x2] =	stream.indirect.gather [hbm4b:s4+s13], $0x800, s19, s13, $0xb8;
	[tilespmem:$0x18080] =	vst v63  }
0x89: {  	_ =	swait.ge [sflag:s15], $0x8000  }
0x8a: {  	[sflag:s15] =	ssyncset.done $0x0  }
0x8b: {  	[sflag:s15] =	ssyncadd.s32 $0xFFFF8000  }
0x8c: {  	[hbm4b:s12+s2] =	stream.linear.scatter [tilespmem:s7], [sflag:$0x5], $0x8000, $0x38;
	[tilespmem:$0x18080] =	vst v63  }
0x8d: {  	_ =	swait.ge [sflag:s10], $0x8000  }
0x8e: {  	[sflag:s10] =	ssyncset.done $0x0  }
0x8f: {  	[sflag:s10] =	ssyncadd.s32 $0xFFFF8000  }
0x90: {  	[tilespmem:s7], [sflag:$0x3] =	stream.indirect.gather [hbm4b:s4+s13], $0x800, s17, s13, $0xb8;
	[tilespmem:$0x18080] =	vst v63  }
0x91: {  	_ =	swait.ge [sflag:s14], $0x8000  }
0x92: {  	[sflag:s14] =	ssyncset.done $0x0  }
0x93: {  	[sflag:s14] =	ssyncadd.s32 $0xFFFF8000  }
0x94: {  	[hbm4b:s6+s2] =	stream.linear.scatter [tilespmem:s11], [sflag:$0x4], $0x8000, $0x38;
	[tilespmem:$0x18080] =	vst v63  }
0x95: {  	_ =	swait.ge [sflag:s15], $0x8000  }
0x96: {  	[sflag:s15] =	ssyncset.done $0x0  }
0x97: {  	[sflag:s15] =	ssyncadd.s32 $0xFFFF8000  }
0x98: {  	[hbm4b:s5+s2] =	stream.linear.scatter [tilespmem:s7], [sflag:$0x5], $0x8000, $0x38;
	[tilespmem:$0x18080] =	vst v63  }
0x99: {  	_ =	swait.ge [sflag:s9], $0x8000  }
0x9a: {  	[sflag:s9] =	ssyncset.done $0x0  }
0x9b: {  	[sflag:s9] =	ssyncadd.s32 $0xFFFF8000  }
0x9c: {  	_ =	swait.ge [sflag:s10], $0x8000  }
0x9d: {  	[sflag:s10] =	ssyncset.done $0x0  }
0x9e: {  	[sflag:s10] =	ssyncadd.s32 $0xFFFF8000  }
0x9f: {  	_ =	swait.ge [sflag:s3], $0x8000  }
0xa0: {  	[sflag:s3] =	ssyncset.done $0x0  }
0xa1: {  	[sflag:s3] =	ssyncadd.s32 $0xFFFF8000  }
0xa2: {  	_ =	swait.ge [sflag:s3], $0x8000  }
0xa3: {  	[sflag:s3] =	ssyncset.done $0x0  }
0xa4: {  	[sflag:s3] =	ssyncadd.s32 $0xFFFF8000  }
0xa5: {  	_ =	swait.ge [sflag:s3], $0x8000  }
0xa6: {  	[sflag:s3] =	ssyncset.done $0x0  }
0xa7: {  	[sflag:s3] =	ssyncadd.s32 $0xFFFF8000  }
0xa8: {  	_ =	swait.ge [sflag:s3], $0x8000  }
0xa9: {  	[sflag:s3] =	ssyncset.done $0x0  }
0xaa: {  	[sflag:s3] =	ssyncadd.s32 $0xFFFF8000  }
0xab: {  	_ =	swait.ge [sflag:s3], $0x8000  }
0xac: {  	[sflag:s3] =	ssyncset.done $0x0  }
0xad: {  	[sflag:s3] =	ssyncadd.s32 $0xFFFF8000  }
0xae: {  	_ =	swait.ge [sflag:s3], $0x8000  }
0xaf: {  	[sflag:s3] =	ssyncset.done $0x0  }
0xb0: {  	[sflag:s3] =	ssyncadd.s32 $0xFFFF8000  }
0xb1: {  	_ =	swait.ge [sflag:s3], $0x8000  }
0xb2: {  	[sflag:s3] =	ssyncset.done $0x0  }
0xb3: {  	[sflag:s3] =	ssyncadd.s32 $0xFFFF8000  }
0xb4: {  	_ =	swait.ge [sflag:s3], $0x8000  }
0xb5: {  	[sflag:s3] =	ssyncset.done $0x0  }
0xb6: {  	[sflag:s3] =	ssyncadd.s32 $0xFFFF8000  }
0xb7: {  	_ =	swait.ge [sflag:s3], $0x8000  }
0xb8: {  	[sflag:s3] =	ssyncset.done $0x0  }
0xb9: {  	[sflag:s3] =	ssyncadd.s32 $0xFFFF8000  }
0xba: {  	_ =	swait.ge [sflag:s3], $0x8000  }
0xbb: {  	[sflag:s3] =	ssyncset.done $0x0  }
0xbc: {  	[sflag:s3] =	ssyncadd.s32 $0xFFFF8000  }
0xbd: {  	_ =	swait.ge [sflag:s3], $0x8000  }
0xbe: {  	[sflag:s3] =	ssyncset.done $0x0  }
0xbf: {  	[sflag:s3] =	ssyncadd.s32 $0xFFFF8000  }
0xc0: {  	_ =	swait.ge [sflag:s3], $0x8000  }
0xc1: {  	[sflag:s3] =	ssyncset.done $0x0  }
0xc2: {  	[sflag:s3] =	ssyncadd.s32 $0xFFFF8000  }
0xc3: {  	_ =	swait.ge [sflag:s3], $0x8000  }
0xc4: {  	[sflag:s3] =	ssyncset.done $0x0  }
0xc5: {  	[sflag:s3] =	ssyncadd.s32 $0xFFFF8000  }
0xc6: {  	_ =	swait.ge [sflag:s3], $0x8000  }
0xc7: {  	[sflag:s3] =	ssyncset.done $0x0  }
0xc8: {  	[sflag:s3] =	ssyncadd.s32 $0xFFFF8000  }
0xc9: {  	_ =	swait.ge [sflag:s3], $0x8000  }
0xca: {  	[sflag:s3] =	ssyncset.done $0x0  }
0xcb: {  	[sflag:s3] =	ssyncadd.s32 $0xFFFF8000  }
0xcc: {  	_ =	swait.ge [sflag:s3], $0x8000  }
0xcd: {  	[sflag:s3] =	ssyncset.done $0x0  }
0xce: {  	[sflag:s3] =	ssyncadd.s32 $0xFFFF8000  }
0xcf: {  	_ =	swait.ge [sflag:s3], $0x8000  }
0xd0: {  	[sflag:s3] =	ssyncset.done $0x0  }
0xd1: {  	[sflag:s3] =	ssyncadd.s32 $0xFFFF8000  }
0xd2: {  	_ =	swait.ge [sflag:s3], $0x8000  }
0xd3: {  	[sflag:s3] =	ssyncset.done $0x0  }
0xd4: {  	[sflag:s3] =	ssyncadd.s32 $0xFFFF8000  }
0xd5: {  	_ =	swait.ge [sflag:s3], $0x8000  }
0xd6: {  	[sflag:s3] =	ssyncset.done $0x0  }
0xd7: {  	[sflag:s3] =	ssyncadd.s32 $0xFFFF8000  }
0xd8: {  	_ =	swait.ge [sflag:s3], $0x8000  }
0xd9: {  	[sflag:s3] =	ssyncset.done $0x0  }
0xda: {  	[sflag:s3] =	ssyncadd.s32 $0xFFFF8000  }
0xdb: {  	_ =	swait.ge [sflag:s3], $0x8000  }
0xdc: {  	[sflag:s3] =	ssyncset.done $0x0  }
0xdd: {  	[sflag:s3] =	ssyncadd.s32 $0xFFFF8000  }
0xde: {  	_ =	swait.ge [sflag:s3], $0x8000  }
0xdf: {  	[sflag:s3] =	ssyncset.done $0x0  }
0xe0: {  	[sflag:s3] =	ssyncadd.s32 $0xFFFF8000  }
0xe1: {  	_ =	swait.ge [sflag:s3], $0x8000  }
0xe2: {  	s1 =	rddreg [dreg:$0x18]  }
0xe3: {  	p1 =	sne.s32 s1, $0x1  }
.Ltmp1:
0xe4: {  	_ = 	snop;
	(pc) =	sbr.rel @!p1 .LBB2_3-.Ltmp1, $4  }
0xe5: {  	[sflag:s3] =	ssyncset.done $0x0  }
0xe6: {  	[sflag:s3] =	ssyncadd.s32 $0xFFFF8000  }
0xe7: {  	p0 =	por $0x1, $0x1;
	_ =	swait.ge [sflag:s3], $0x8000  }
0xe8: {  	s1 =	sadd.s32 $0xFFFFFFFF, s1;
	s0 =	rddreg [dreg:$0x5];
	[sflag:s3] =	ssyncset.done $0x0  }
.LBB2_2:
0xe9: {  	[sflag:s3] =	ssyncadd.s32 $0xFFFF8000  }
0xea: {  	[tilespmem:s2], [sflag:$0x6] =	stream.linear.gather [hbm4b:s0+s2], $0x40, $0x38;
	[tilespmem:$0x18080] =	vst v63  }
0xeb: {  	_ =	swait.ge [sflag:s31], $0x40  }
0xec: {  	[sflag:s31] =	ssyncset.done $0x0  }
0xed: {  	s17 =	rddreg [dreg:$0x4];
	[sflag:s31] =	ssyncadd.s32 $0xFFFFFFC0  }
0xee: {  	[tilespmem:s30], [sflag:$0x6] =	stream.linear.gather [hbm4b:s17+s2], $0x8000, $0x38;
	[tilespmem:$0x18080] =	vst v63  }
0xef: {  	_ =	swait.ge [sflag:s31], $0x8000  }
0xf0: {  	s17 =	smov.u32 s16;
	[sflag:s31] =	ssyncset.done $0x0  }
0xf1: {  	s16 =	smov.u32 s12;
	s0 =	rddreg [dreg:$0x6];
	[sflag:s31] =	ssyncadd.s32 $0xFFFF8000  }
0xf2: {  	[hbm4b:s0+s2] =	stream.linear.scatter [tilespmem:s30], [sflag:$0x1], $0x8000, $0x38;
	[tilespmem:$0x18080] =	vst v63  }
0xf3: {  	s12 =	smov.u32 s6;
	s6 =	smov.u32 s5;
	s5 =	rddreg [dreg:$0x7]  }
0xf4: {  	[hbm4b:s5+s2] =	stream.linear.scatter [tilespmem:s30], [sflag:$0x1], $0x8000, $0x38;
	[tilespmem:$0x18080] =	vst v63  }
0xf5: {  	s0 =	rddreg [dreg:$0x8]  }
0xf6: {  	[hbm4b:s0+s2] =	stream.linear.scatter [tilespmem:s30], [sflag:$0x1], $0x8000, $0x38;
	[tilespmem:$0x18080] =	vst v63  }
0xf7: {  	s5 =	rddreg [dreg:$0x9]  }
0xf8: {  	[hbm4b:s5+s2] =	stream.linear.scatter [tilespmem:s30], [sflag:$0x1], $0x8000, $0x38;
	[tilespmem:$0x18080] =	vst v63  }
0xf9: {  	s0 =	rddreg [dreg:$0xa]  }
0xfa: {  	[hbm4b:s0+s2] =	stream.linear.scatter [tilespmem:s30], [sflag:$0x1], $0x8000, $0x38;
	[tilespmem:$0x18080] =	vst v63  }
0xfb: {  	s5 =	rddreg [dreg:$0xb]  }
0xfc: {  	[hbm4b:s5+s2] =	stream.linear.scatter [tilespmem:s30], [sflag:$0x1], $0x8000, $0x38;
	[tilespmem:$0x18080] =	vst v63  }
0xfd: {  	s0 =	rddreg [dreg:$0xc]  }
0xfe: {  	[hbm4b:s0+s2] =	stream.linear.scatter [tilespmem:s30], [sflag:$0x1], $0x8000, $0x38;
	[tilespmem:$0x18080] =	vst v63  }
0xff: {  	s5 =	rddreg [dreg:$0xd]  }
0x100: {  	[hbm4b:s5+s2] =	stream.linear.scatter [tilespmem:s30], [sflag:$0x1], $0x8000, $0x38;
	[tilespmem:$0x18080] =	vst v63  }
0x101: {  	s0 =	rddreg [dreg:$0xe]  }
0x102: {  	[hbm4b:s0+s2] =	stream.linear.scatter [tilespmem:s30], [sflag:$0x1], $0x8000, $0x38;
	[tilespmem:$0x18080] =	vst v63  }
0x103: {  	s5 =	rddreg [dreg:$0xf]  }
0x104: {  	[hbm4b:s5+s2] =	stream.linear.scatter [tilespmem:s30], [sflag:$0x1], $0x8000, $0x38;
	[tilespmem:$0x18080] =	vst v63  }
0x105: {  	s0 =	rddreg [dreg:$0x10]  }
0x106: {  	[hbm4b:s0+s2] =	stream.linear.scatter [tilespmem:s30], [sflag:$0x1], $0x8000, $0x38;
	[tilespmem:$0x18080] =	vst v63  }
0x107: {  	s5 =	rddreg [dreg:$0x11]  }
0x108: {  	[hbm4b:s5+s2] =	stream.linear.scatter [tilespmem:s30], [sflag:$0x1], $0x8000, $0x38;
	[tilespmem:$0x18080] =	vst v63  }
0x109: {  	s0 =	rddreg [dreg:$0x12]  }
0x10a: {  	[hbm4b:s0+s2] =	stream.linear.scatter [tilespmem:s30], [sflag:$0x1], $0x8000, $0x38;
	[tilespmem:$0x18080] =	vst v63  }
0x10b: {  	s5 =	rddreg [dreg:$0x13]  }
0x10c: {  	[hbm4b:s5+s2] =	stream.linear.scatter [tilespmem:s30], [sflag:$0x1], $0x8000, $0x38;
	[tilespmem:$0x18080] =	vst v63  }
0x10d: {  	s0 =	rddreg [dreg:$0x14]  }
0x10e: {  	[hbm4b:s0+s2] =	stream.linear.scatter [tilespmem:s30], [sflag:$0x1], $0x8000, $0x38;
	[tilespmem:$0x18080] =	vst v63  }
0x10f: {  	s5 =	rddreg [dreg:$0x15]  }
0x110: {  	[hbm4b:s5+s2] =	stream.linear.scatter [tilespmem:s30], [sflag:$0x1], $0x8000, $0x38;
	[tilespmem:$0x18080] =	vst v63  }
0x111: {  	s0 =	rddreg [dreg:$0x16]  }
0x112: {  	[hbm4b:s0+s2] =	stream.linear.scatter [tilespmem:s30], [sflag:$0x1], $0x8000, $0x38;
	[tilespmem:$0x18080] =	vst v63  }
0x113: {  	s5 =	rddreg [dreg:$0x17]  }
0x114: {  	[hbm4b:s5+s2] =	stream.linear.scatter [tilespmem:s30], [sflag:$0x1], $0x8000, $0x38;
	[tilespmem:$0x18080] =	vst v63  }
0x115: {  	_ = 	snop  }
0x116: {  	[hbm4b:s23+s2] =	stream.linear.scatter [tilespmem:s30], [sflag:$0x1], $0x8000, $0x38;
	[tilespmem:$0x18080] =	vst v63  }
0x117: {  	_ = 	snop  }
0x118: {  	[hbm4b:s24+s2] =	stream.linear.scatter [tilespmem:s30], [sflag:$0x1], $0x8000, $0x38;
	[tilespmem:$0x18080] =	vst v63  }
0x119: {  	_ = 	snop  }
0x11a: {  	[hbm4b:s25+s2] =	stream.linear.scatter [tilespmem:s30], [sflag:$0x1], $0x8000, $0x38;
	[tilespmem:$0x18080] =	vst v63  }
0x11b: {  	_ = 	snop  }
0x11c: {  	[hbm4b:s26+s2] =	stream.linear.scatter [tilespmem:s30], [sflag:$0x1], $0x8000, $0x38;
	[tilespmem:$0x18080] =	vst v63  }
0x11d: {  	_ = 	snop  }
0x11e: {  	[hbm4b:s28+s2] =	stream.linear.scatter [tilespmem:s30], [sflag:$0x1], $0x8000, $0x38;
	[tilespmem:$0x18080] =	vst v63  }
0x11f: {  	_ = 	snop  }
0x120: {  	[hbm4b:s29+s2] =	stream.linear.scatter [tilespmem:s30], [sflag:$0x1], $0x8000, $0x38;
	[tilespmem:$0x18080] =	vst v63  }
0x121: {  	_ = 	snop  }
0x122: {  	[tilespmem:s11], [sflag:$0x2] =	stream.indirect.gather [hbm4b:s8+s13], $0x800, s2, s13, $0xb8;
	[tilespmem:$0x18080] =	vst v63  }
0x123: {  	_ = 	snop  }
0x124: {  	[tilespmem:s7], [sflag:$0x3] =	stream.indirect.gather [hbm4b:s8+s13], $0x800, s13, s13, $0xb8;
	[tilespmem:$0x18080] =	vst v63  }
0x125: {  	_ =	swait.ge [sflag:s14], $0x8000  }
0x126: {  	[sflag:s14] =	ssyncset.done $0x0  }
0x127: {  	[sflag:s14] =	ssyncadd.s32 $0xFFFF8000  }
0x128: {  	[hbm4b:s22+s2] =	stream.linear.scatter [tilespmem:s11], [sflag:$0x4], $0x8000, $0x38;
	[tilespmem:$0x18080] =	vst v63  }
0x129: {  	_ =	swait.ge [sflag:s9], $0x8000  }
0x12a: {  	[sflag:s9] =	ssyncset.done $0x0  }
0x12b: {  	[sflag:s9] =	ssyncadd.s32 $0xFFFF8000  }
0x12c: {  	[tilespmem:s11], [sflag:$0x2] =	stream.indirect.gather [hbm4b:s8+s13], $0x800, s19, s13, $0xb8;
	[tilespmem:$0x18080] =	vst v63  }
0x12d: {  	_ =	swait.ge [sflag:s15], $0x8000  }
0x12e: {  	[sflag:s15] =	ssyncset.done $0x0  }
0x12f: {  	[sflag:s15] =	ssyncadd.s32 $0xFFFF8000  }
0x130: {  	[hbm4b:s21+s2] =	stream.linear.scatter [tilespmem:s7], [sflag:$0x5], $0x8000, $0x38;
	[tilespmem:$0x18080] =	vst v63  }
0x131: {  	s5 =	smov.u32 s6;
	_ =	swait.ge [sflag:s10], $0x8000  }
0x132: {  	s6 =	smov.u32 s12;
	s12 =	smov.u32 s16;
	[sflag:s10] =	ssyncset.done $0x0  }
0x133: {  	s16 =	smov.u32 s17;
	s17 =	simm.s32 $0x30;
	[sflag:s10] =	ssyncadd.s32 $0xFFFF8000  }
0x134: {  	[tilespmem:s7], [sflag:$0x3] =	stream.indirect.gather [hbm4b:s8+s13], $0x800, s17, s13, $0xb8;
	[tilespmem:$0x18080] =	vst v63  }
0x135: {  	_ =	swait.ge [sflag:s14], $0x8000  }
0x136: {  	[sflag:s14] =	ssyncset.done $0x0  }
0x137: {  	[sflag:s14] =	ssyncadd.s32 $0xFFFF8000  }
0x138: {  	[hbm4b:s20+s2] =	stream.linear.scatter [tilespmem:s11], [sflag:$0x4], $0x8000, $0x38;
	[tilespmem:$0x18080] =	vst v63  }
0x139: {  	_ =	swait.ge [sflag:s9], $0x8000  }
0x13a: {  	[sflag:s9] =	ssyncset.done $0x0  }
0x13b: {  	[sflag:s9] =	ssyncadd.s32 $0xFFFF8000  }
0x13c: {  	[tilespmem:s11], [sflag:$0x2] =	stream.indirect.gather [hbm4b:s4+s13], $0x800, s2, s13, $0xb8;
	[tilespmem:$0x18080] =	vst v63  }
0x13d: {  	_ =	swait.ge [sflag:s15], $0x8000  }
0x13e: {  	[sflag:s15] =	ssyncset.done $0x0  }
0x13f: {  	[sflag:s15] =	ssyncadd.s32 $0xFFFF8000  }
0x140: {  	[hbm4b:s18+s2] =	stream.linear.scatter [tilespmem:s7], [sflag:$0x5], $0x8000, $0x38;
	[tilespmem:$0x18080] =	vst v63  }
0x141: {  	_ =	swait.ge [sflag:s10], $0x8000  }
0x142: {  	[sflag:s10] =	ssyncset.done $0x0  }
0x143: {  	[sflag:s10] =	ssyncadd.s32 $0xFFFF8000  }
0x144: {  	[tilespmem:s7], [sflag:$0x3] =	stream.indirect.gather [hbm4b:s4+s13], $0x800, s13, s13, $0xb8;
	[tilespmem:$0x18080] =	vst v63  }
0x145: {  	_ =	swait.ge [sflag:s14], $0x8000  }
0x146: {  	[sflag:s14] =	ssyncset.done $0x0  }
0x147: {  	[sflag:s14] =	ssyncadd.s32 $0xFFFF8000  }
0x148: {  	[hbm4b:s16+s2] =	stream.linear.scatter [tilespmem:s11], [sflag:$0x4], $0x8000, $0x38;
	[tilespmem:$0x18080] =	vst v63  }
0x149: {  	_ =	swait.ge [sflag:s9], $0x8000  }
0x14a: {  	[sflag:s9] =	ssyncset.done $0x0  }
0x14b: {  	[sflag:s9] =	ssyncadd.s32 $0xFFFF8000  }
0x14c: {  	[tilespmem:s11], [sflag:$0x2] =	stream.indirect.gather [hbm4b:s4+s13], $0x800, s19, s13, $0xb8;
	[tilespmem:$0x18080] =	vst v63  }
0x14d: {  	_ =	swait.ge [sflag:s15], $0x8000  }
0x14e: {  	[sflag:s15] =	ssyncset.done $0x0  }
0x14f: {  	[sflag:s15] =	ssyncadd.s32 $0xFFFF8000  }
0x150: {  	[hbm4b:s12+s2] =	stream.linear.scatter [tilespmem:s7], [sflag:$0x5], $0x8000, $0x38;
	[tilespmem:$0x18080] =	vst v63  }
0x151: {  	_ =	swait.ge [sflag:s10], $0x8000  }
0x152: {  	[sflag:s10] =	ssyncset.done $0x0  }
0x153: {  	[sflag:s10] =	ssyncadd.s32 $0xFFFF8000  }
0x154: {  	[tilespmem:s7], [sflag:$0x3] =	stream.indirect.gather [hbm4b:s4+s13], $0x800, s17, s13, $0xb8;
	[tilespmem:$0x18080] =	vst v63  }
0x155: {  	_ =	swait.ge [sflag:s14], $0x8000  }
0x156: {  	[sflag:s14] =	ssyncset.done $0x0  }
0x157: {  	[sflag:s14] =	ssyncadd.s32 $0xFFFF8000  }
0x158: {  	[hbm4b:s6+s2] =	stream.linear.scatter [tilespmem:s11], [sflag:$0x4], $0x8000, $0x38;
	[tilespmem:$0x18080] =	vst v63  }
0x159: {  	_ =	swait.ge [sflag:s15], $0x8000  }
0x15a: {  	[sflag:s15] =	ssyncset.done $0x0  }
0x15b: {  	[sflag:s15] =	ssyncadd.s32 $0xFFFF8000  }
0x15c: {  	[hbm4b:s5+s2] =	stream.linear.scatter [tilespmem:s7], [sflag:$0x5], $0x8000, $0x38;
	[tilespmem:$0x18080] =	vst v63  }
0x15d: {  	_ =	swait.ge [sflag:s9], $0x8000  }
0x15e: {  	[sflag:s9] =	ssyncset.done $0x0  }
0x15f: {  	[sflag:s9] =	ssyncadd.s32 $0xFFFF8000  }
0x160: {  	_ =	swait.ge [sflag:s10], $0x8000  }
0x161: {  	[sflag:s10] =	ssyncset.done $0x0  }
0x162: {  	[sflag:s10] =	ssyncadd.s32 $0xFFFF8000  }
0x163: {  	_ =	swait.ge [sflag:s3], $0x8000  }
0x164: {  	[sflag:s3] =	ssyncset.done $0x0  }
0x165: {  	[sflag:s3] =	ssyncadd.s32 $0xFFFF8000  }
0x166: {  	_ =	swait.ge [sflag:s3], $0x8000  }
0x167: {  	[sflag:s3] =	ssyncset.done $0x0  }
0x168: {  	[sflag:s3] =	ssyncadd.s32 $0xFFFF8000  }
0x169: {  	_ =	swait.ge [sflag:s3], $0x8000  }
0x16a: {  	[sflag:s3] =	ssyncset.done $0x0  }
0x16b: {  	[sflag:s3] =	ssyncadd.s32 $0xFFFF8000  }
0x16c: {  	_ =	swait.ge [sflag:s3], $0x8000  }
0x16d: {  	[sflag:s3] =	ssyncset.done $0x0  }
0x16e: {  	[sflag:s3] =	ssyncadd.s32 $0xFFFF8000  }
0x16f: {  	_ =	swait.ge [sflag:s3], $0x8000  }
0x170: {  	[sflag:s3] =	ssyncset.done $0x0  }
0x171: {  	[sflag:s3] =	ssyncadd.s32 $0xFFFF8000  }
0x172: {  	_ =	swait.ge [sflag:s3], $0x8000  }
0x173: {  	[sflag:s3] =	ssyncset.done $0x0  }
0x174: {  	[sflag:s3] =	ssyncadd.s32 $0xFFFF8000  }
0x175: {  	_ =	swait.ge [sflag:s3], $0x8000  }
0x176: {  	[sflag:s3] =	ssyncset.done $0x0  }
0x177: {  	[sflag:s3] =	ssyncadd.s32 $0xFFFF8000  }
0x178: {  	_ =	swait.ge [sflag:s3], $0x8000  }
0x179: {  	[sflag:s3] =	ssyncset.done $0x0  }
0x17a: {  	[sflag:s3] =	ssyncadd.s32 $0xFFFF8000  }
0x17b: {  	_ =	swait.ge [sflag:s3], $0x8000  }
0x17c: {  	[sflag:s3] =	ssyncset.done $0x0  }
0x17d: {  	[sflag:s3] =	ssyncadd.s32 $0xFFFF8000  }
0x17e: {  	_ =	swait.ge [sflag:s3], $0x8000  }
0x17f: {  	[sflag:s3] =	ssyncset.done $0x0  }
0x180: {  	[sflag:s3] =	ssyncadd.s32 $0xFFFF8000  }
0x181: {  	_ =	swait.ge [sflag:s3], $0x8000  }
0x182: {  	[sflag:s3] =	ssyncset.done $0x0  }
0x183: {  	[sflag:s3] =	ssyncadd.s32 $0xFFFF8000  }
0x184: {  	_ =	swait.ge [sflag:s3], $0x8000  }
0x185: {  	[sflag:s3] =	ssyncset.done $0x0  }
0x186: {  	[sflag:s3] =	ssyncadd.s32 $0xFFFF8000  }
0x187: {  	_ =	swait.ge [sflag:s3], $0x8000  }
0x188: {  	[sflag:s3] =	ssyncset.done $0x0  }
0x189: {  	[sflag:s3] =	ssyncadd.s32 $0xFFFF8000  }
0x18a: {  	_ =	swait.ge [sflag:s3], $0x8000  }
0x18b: {  	[sflag:s3] =	ssyncset.done $0x0  }
0x18c: {  	[sflag:s3] =	ssyncadd.s32 $0xFFFF8000  }
0x18d: {  	_ =	swait.ge [sflag:s3], $0x8000  }
0x18e: {  	[sflag:s3] =	ssyncset.done $0x0  }
0x18f: {  	[sflag:s3] =	ssyncadd.s32 $0xFFFF8000  }
0x190: {  	_ =	swait.ge [sflag:s3], $0x8000  }
0x191: {  	[sflag:s3] =	ssyncset.done $0x0  }
0x192: {  	[sflag:s3] =	ssyncadd.s32 $0xFFFF8000  }
0x193: {  	_ =	swait.ge [sflag:s3], $0x8000  }
0x194: {  	[sflag:s3] =	ssyncset.done $0x0  }
0x195: {  	[sflag:s3] =	ssyncadd.s32 $0xFFFF8000  }
0x196: {  	_ =	swait.ge [sflag:s3], $0x8000  }
0x197: {  	[sflag:s3] =	ssyncset.done $0x0  }
0x198: {  	[sflag:s3] =	ssyncadd.s32 $0xFFFF8000  }
0x199: {  	_ =	swait.ge [sflag:s3], $0x8000  }
0x19a: {  	[sflag:s3] =	ssyncset.done $0x0  }
0x19b: {  	[sflag:s3] =	ssyncadd.s32 $0xFFFF8000  }
0x19c: {  	_ =	swait.ge [sflag:s3], $0x8000  }
0x19d: {  	[sflag:s3] =	ssyncset.done $0x0  }
0x19e: {  	[sflag:s3] =	ssyncadd.s32 $0xFFFF8000  }
0x19f: {  	_ =	swait.ge [sflag:s3], $0x8000  }
0x1a0: {  	[sflag:s3] =	ssyncset.done $0x0  }
0x1a1: {  	[sflag:s3] =	ssyncadd.s32 $0xFFFF8000  }
0x1a2: {  	_ =	swait.ge [sflag:s3], $0x8000  }
0x1a3: {  	[sflag:s3] =	ssyncset.done $0x0  }
0x1a4: {  	p1 =	sne.s32 s1, $0x1;
	[sflag:s3] =	ssyncadd.s32 $0xFFFF8000  }
.Ltmp2:
0x1a5: {  	_ =	swait.ge [sflag:s3], $0x8000;
	(pc) =	sbr.rel @p1 .LBB2_2-.Ltmp2, $4  }
0x1a6: {  	[sflag:s3] =	ssyncset.done $0x0  }
0x1a7: {  	[sflag:s3] =	ssyncadd.s32 $0xFFFF8000  }
0x1a8: {  	_ =	swait.ge [sflag:s3], $0x8000  }
0x1a9: {  	s1 =	sadd.s32 $0xFFFFFFFF, s1;
	s0 =	rddreg [dreg:$0x5];
	[sflag:s3] =	ssyncset.done $0x0  }
.LBB2_3:
0x1aa: {  	[sflag:s3] =	ssyncadd.s32 @p0 $0xFFFF8000  }
0x1ab: {  	[tilespmem:s2], [sflag:$0x6] =	stream.linear.gather [hbm4b:s0+s2], $0x40, $0x38;
	[tilespmem:$0x18080] =	vst v63  }
0x1ac: {  	_ =	swait.ge [sflag:s31], $0x40  }
0x1ad: {  	[sflag:s31] =	ssyncset.done $0x0  }
0x1ae: {  	s1 =	rddreg [dreg:$0x4];
	[sflag:s31] =	ssyncadd.s32 $0xFFFFFFC0  }
0x1af: {  	[tilespmem:s30], [sflag:$0x6] =	stream.linear.gather [hbm4b:s1+s2], $0x8000, $0x38;
	[tilespmem:$0x18080] =	vst v63  }
0x1b0: {  	_ =	swait.ge [sflag:s31], $0x8000  }
0x1b1: {  	[sflag:s31] =	ssyncset.done $0x0  }
0x1b2: {  	s0 =	rddreg [dreg:$0x6];
	[sflag:s31] =	ssyncadd.s32 $0xFFFF8000  }
0x1b3: {  	[hbm4b:s0+s2] =	stream.linear.scatter [tilespmem:s30], [sflag:$0x1], $0x8000, $0x38;
	[tilespmem:$0x18080] =	vst v63  }
0x1b4: {  	s1 =	rddreg [dreg:$0x7]  }
0x1b5: {  	[hbm4b:s1+s2] =	stream.linear.scatter [tilespmem:s30], [sflag:$0x1], $0x8000, $0x38;
	[tilespmem:$0x18080] =	vst v63  }
0x1b6: {  	s0 =	rddreg [dreg:$0x8]  }
0x1b7: {  	[hbm4b:s0+s2] =	stream.linear.scatter [tilespmem:s30], [sflag:$0x1], $0x8000, $0x38;
	[tilespmem:$0x18080] =	vst v63  }
0x1b8: {  	s31 =	rddreg [dreg:$0x9]  }
0x1b9: {  	[hbm4b:s31+s2] =	stream.linear.scatter [tilespmem:s30], [sflag:$0x1], $0x8000, $0x38;
	[tilespmem:$0x18080] =	vst v63  }
0x1ba: {  	s0 =	rddreg [dreg:$0xa]  }
0x1bb: {  	[hbm4b:s0+s2] =	stream.linear.scatter [tilespmem:s30], [sflag:$0x1], $0x8000, $0x38;
	[tilespmem:$0x18080] =	vst v63  }
0x1bc: {  	s31 =	rddreg [dreg:$0xb]  }
0x1bd: {  	[hbm4b:s31+s2] =	stream.linear.scatter [tilespmem:s30], [sflag:$0x1], $0x8000, $0x38;
	[tilespmem:$0x18080] =	vst v63  }
0x1be: {  	s0 =	rddreg [dreg:$0xc]  }
0x1bf: {  	[hbm4b:s0+s2] =	stream.linear.scatter [tilespmem:s30], [sflag:$0x1], $0x8000, $0x38;
	[tilespmem:$0x18080] =	vst v63  }
0x1c0: {  	s31 =	rddreg [dreg:$0xd]  }
0x1c1: {  	[hbm4b:s31+s2] =	stream.linear.scatter [tilespmem:s30], [sflag:$0x1], $0x8000, $0x38;
	[tilespmem:$0x18080] =	vst v63  }
0x1c2: {  	s0 =	rddreg [dreg:$0xe]  }
0x1c3: {  	[hbm4b:s0+s2] =	stream.linear.scatter [tilespmem:s30], [sflag:$0x1], $0x8000, $0x38;
	[tilespmem:$0x18080] =	vst v63  }
0x1c4: {  	s31 =	rddreg [dreg:$0xf]  }
0x1c5: {  	[hbm4b:s31+s2] =	stream.linear.scatter [tilespmem:s30], [sflag:$0x1], $0x8000, $0x38;
	[tilespmem:$0x18080] =	vst v63  }
0x1c6: {  	s0 =	rddreg [dreg:$0x10]  }
0x1c7: {  	[hbm4b:s0+s2] =	stream.linear.scatter [tilespmem:s30], [sflag:$0x1], $0x8000, $0x38;
	[tilespmem:$0x18080] =	vst v63  }
0x1c8: {  	s31 =	rddreg [dreg:$0x11]  }
0x1c9: {  	[hbm4b:s31+s2] =	stream.linear.scatter [tilespmem:s30], [sflag:$0x1], $0x8000, $0x38;
	[tilespmem:$0x18080] =	vst v63  }
0x1ca: {  	s0 =	rddreg [dreg:$0x12]  }
0x1cb: {  	[hbm4b:s0+s2] =	stream.linear.scatter [tilespmem:s30], [sflag:$0x1], $0x8000, $0x38;
	[tilespmem:$0x18080] =	vst v63  }
0x1cc: {  	s31 =	rddreg [dreg:$0x13]  }
0x1cd: {  	[hbm4b:s31+s2] =	stream.linear.scatter [tilespmem:s30], [sflag:$0x1], $0x8000, $0x38;
	[tilespmem:$0x18080] =	vst v63  }
0x1ce: {  	s0 =	rddreg [dreg:$0x14]  }
0x1cf: {  	[hbm4b:s0+s2] =	stream.linear.scatter [tilespmem:s30], [sflag:$0x1], $0x8000, $0x38;
	[tilespmem:$0x18080] =	vst v63  }
0x1d0: {  	s31 =	rddreg [dreg:$0x15]  }
0x1d1: {  	[hbm4b:s31+s2] =	stream.linear.scatter [tilespmem:s30], [sflag:$0x1], $0x8000, $0x38;
	[tilespmem:$0x18080] =	vst v63  }
0x1d2: {  	s0 =	rddreg [dreg:$0x16]  }
0x1d3: {  	[hbm4b:s0+s2] =	stream.linear.scatter [tilespmem:s30], [sflag:$0x1], $0x8000, $0x38;
	[tilespmem:$0x18080] =	vst v63  }
0x1d4: {  	s31 =	rddreg [dreg:$0x17]  }
0x1d5: {  	[hbm4b:s31+s2] =	stream.linear.scatter [tilespmem:s30], [sflag:$0x1], $0x8000, $0x38;
	[tilespmem:$0x18080] =	vst v63  }
0x1d6: {  	_ = 	snop  }
0x1d7: {  	[hbm4b:s23+s2] =	stream.linear.scatter [tilespmem:s30], [sflag:$0x1], $0x8000, $0x38;
	[tilespmem:$0x18080] =	vst v63  }
0x1d8: {  	_ = 	snop  }
0x1d9: {  	[hbm4b:s24+s2] =	stream.linear.scatter [tilespmem:s30], [sflag:$0x1], $0x8000, $0x38;
	[tilespmem:$0x18080] =	vst v63  }
0x1da: {  	_ = 	snop  }
0x1db: {  	[hbm4b:s25+s2] =	stream.linear.scatter [tilespmem:s30], [sflag:$0x1], $0x8000, $0x38;
	[tilespmem:$0x18080] =	vst v63  }
0x1dc: {  	_ = 	snop  }
0x1dd: {  	[hbm4b:s26+s2] =	stream.linear.scatter [tilespmem:s30], [sflag:$0x1], $0x8000, $0x38;
	[tilespmem:$0x18080] =	vst v63  }
0x1de: {  	_ = 	snop  }
0x1df: {  	[hbm4b:s28+s2] =	stream.linear.scatter [tilespmem:s30], [sflag:$0x1], $0x8000, $0x38;
	[tilespmem:$0x18080] =	vst v63  }
0x1e0: {  	_ = 	snop  }
0x1e1: {  	[hbm4b:s29+s2] =	stream.linear.scatter [tilespmem:s30], [sflag:$0x1], $0x8000, $0x38;
	[tilespmem:$0x18080] =	vst v63  }
0x1e2: {  	_ = 	snop  }
0x1e3: {  	[tilespmem:s11], [sflag:$0x2] =	stream.indirect.gather [hbm4b:s8+s13], $0x800, s2, s13, $0xb8;
	[tilespmem:$0x18080] =	vst v63  }
0x1e4: {  	_ = 	snop  }
0x1e5: {  	[tilespmem:s7], [sflag:$0x3] =	stream.indirect.gather [hbm4b:s8+s13], $0x800, s13, s13, $0xb8;
	[tilespmem:$0x18080] =	vst v63  }
0x1e6: {  	_ =	swait.ge [sflag:s14], $0x8000  }
0x1e7: {  	[sflag:s14] =	ssyncset.done $0x0  }
0x1e8: {  	[sflag:s14] =	ssyncadd.s32 $0xFFFF8000  }
0x1e9: {  	[hbm4b:s22+s2] =	stream.linear.scatter [tilespmem:s11], [sflag:$0x4], $0x8000, $0x38;
	[tilespmem:$0x18080] =	vst v63  }
0x1ea: {  	_ =	swait.ge [sflag:s9], $0x8000  }
0x1eb: {  	[sflag:s9] =	ssyncset.done $0x0  }
0x1ec: {  	[sflag:s9] =	ssyncadd.s32 $0xFFFF8000  }
0x1ed: {  	[tilespmem:s11], [sflag:$0x2] =	stream.indirect.gather [hbm4b:s8+s13], $0x800, s19, s13, $0xb8;
	[tilespmem:$0x18080] =	vst v63  }
0x1ee: {  	_ =	swait.ge [sflag:s15], $0x8000  }
0x1ef: {  	[sflag:s15] =	ssyncset.done $0x0  }
0x1f0: {  	[sflag:s15] =	ssyncadd.s32 $0xFFFF8000  }
0x1f1: {  	[hbm4b:s21+s2] =	stream.linear.scatter [tilespmem:s7], [sflag:$0x5], $0x8000, $0x38;
	[tilespmem:$0x18080] =	vst v63  }
0x1f2: {  	_ =	swait.ge [sflag:s10], $0x8000  }
0x1f3: {  	[sflag:s10] =	ssyncset.done $0x0  }
0x1f4: {  	[sflag:s10] =	ssyncadd.s32 $0xFFFF8000  }
0x1f5: {  	[tilespmem:s7], [sflag:$0x3] =	stream.indirect.gather [hbm4b:s8+s13], $0x800, s17, s13, $0xb8;
	[tilespmem:$0x18080] =	vst v63  }
0x1f6: {  	_ =	swait.ge [sflag:s14], $0x8000  }
0x1f7: {  	[sflag:s14] =	ssyncset.done $0x0  }
0x1f8: {  	[sflag:s14] =	ssyncadd.s32 $0xFFFF8000  }
0x1f9: {  	[hbm4b:s20+s2] =	stream.linear.scatter [tilespmem:s11], [sflag:$0x4], $0x8000, $0x38;
	[tilespmem:$0x18080] =	vst v63  }
0x1fa: {  	_ =	swait.ge [sflag:s9], $0x8000  }
0x1fb: {  	[sflag:s9] =	ssyncset.done $0x0  }
0x1fc: {  	[sflag:s9] =	ssyncadd.s32 $0xFFFF8000  }
0x1fd: {  	[tilespmem:s11], [sflag:$0x2] =	stream.indirect.gather [hbm4b:s4+s13], $0x800, s2, s13, $0xb8;
	[tilespmem:$0x18080] =	vst v63  }
0x1fe: {  	_ =	swait.ge [sflag:s15], $0x8000  }
0x1ff: {  	[sflag:s15] =	ssyncset.done $0x0  }
0x200: {  	[sflag:s15] =	ssyncadd.s32 $0xFFFF8000  }
0x201: {  	[hbm4b:s18+s2] =	stream.linear.scatter [tilespmem:s7], [sflag:$0x5], $0x8000, $0x38;
	[tilespmem:$0x18080] =	vst v63  }
0x202: {  	_ =	swait.ge [sflag:s10], $0x8000  }
0x203: {  	[sflag:s10] =	ssyncset.done $0x0  }
0x204: {  	[sflag:s10] =	ssyncadd.s32 $0xFFFF8000  }
0x205: {  	[tilespmem:s7], [sflag:$0x3] =	stream.indirect.gather [hbm4b:s4+s13], $0x800, s13, s13, $0xb8;
	[tilespmem:$0x18080] =	vst v63  }
0x206: {  	_ =	swait.ge [sflag:s14], $0x8000  }
0x207: {  	[sflag:s14] =	ssyncset.done $0x0  }
0x208: {  	[sflag:s14] =	ssyncadd.s32 $0xFFFF8000  }
0x209: {  	[hbm4b:s16+s2] =	stream.linear.scatter [tilespmem:s11], [sflag:$0x4], $0x8000, $0x38;
	[tilespmem:$0x18080] =	vst v63  }
0x20a: {  	_ =	swait.ge [sflag:s9], $0x8000  }
0x20b: {  	[sflag:s9] =	ssyncset.done $0x0  }
0x20c: {  	[sflag:s9] =	ssyncadd.s32 $0xFFFF8000  }
0x20d: {  	[tilespmem:s11], [sflag:$0x2] =	stream.indirect.gather [hbm4b:s4+s13], $0x800, s19, s13, $0xb8;
	[tilespmem:$0x18080] =	vst v63  }
0x20e: {  	_ =	swait.ge [sflag:s15], $0x8000  }
0x20f: {  	[sflag:s15] =	ssyncset.done $0x0  }
0x210: {  	[sflag:s15] =	ssyncadd.s32 $0xFFFF8000  }
0x211: {  	[hbm4b:s12+s2] =	stream.linear.scatter [tilespmem:s7], [sflag:$0x5], $0x8000, $0x38;
	[tilespmem:$0x18080] =	vst v63  }
0x212: {  	_ =	swait.ge [sflag:s10], $0x8000  }
0x213: {  	[sflag:s10] =	ssyncset.done $0x0  }
0x214: {  	[sflag:s10] =	ssyncadd.s32 $0xFFFF8000  }
0x215: {  	[tilespmem:s7], [sflag:$0x3] =	stream.indirect.gather [hbm4b:s4+s13], $0x800, s17, s13, $0xb8;
	[tilespmem:$0x18080] =	vst v63  }
0x216: {  	_ =	swait.ge [sflag:s14], $0x8000  }
0x217: {  	[sflag:s14] =	ssyncset.done $0x0  }
0x218: {  	[sflag:s14] =	ssyncadd.s32 $0xFFFF8000  }
0x219: {  	[hbm4b:s6+s2] =	stream.linear.scatter [tilespmem:s11], [sflag:$0x4], $0x8000, $0x38;
	[tilespmem:$0x18080] =	vst v63  }
0x21a: {  	_ =	swait.ge [sflag:s15], $0x8000  }
0x21b: {  	[sflag:s15] =	ssyncset.done $0x0  }
0x21c: {  	[sflag:s15] =	ssyncadd.s32 $0xFFFF8000  }
0x21d: {  	[hbm4b:s5+s2] =	stream.linear.scatter [tilespmem:s7], [sflag:$0x5], $0x8000, $0x38;
	[tilespmem:$0x18080] =	vst v63  }
0x21e: {  	_ =	swait.ge [sflag:s9], $0x8000  }
0x21f: {  	[sflag:s9] =	ssyncset.done $0x0  }
0x220: {  	[sflag:s9] =	ssyncadd.s32 $0xFFFF8000  }
0x221: {  	_ =	swait.ge [sflag:s10], $0x8000  }
0x222: {  	[sflag:s10] =	ssyncset.done $0x0  }
0x223: {  	[sflag:s10] =	ssyncadd.s32 $0xFFFF8000  }
0x224: {  	_ =	swait.ge [sflag:s3], $0x8000  }
0x225: {  	[sflag:s3] =	ssyncset.done $0x0  }
0x226: {  	[sflag:s3] =	ssyncadd.s32 $0xFFFF8000  }
0x227: {  	_ =	swait.ge [sflag:s3], $0x8000  }
0x228: {  	[sflag:s3] =	ssyncset.done $0x0  }
0x229: {  	[sflag:s3] =	ssyncadd.s32 $0xFFFF8000  }
0x22a: {  	_ =	swait.ge [sflag:s3], $0x8000  }
0x22b: {  	[sflag:s3] =	ssyncset.done $0x0  }
0x22c: {  	[sflag:s3] =	ssyncadd.s32 $0xFFFF8000  }
0x22d: {  	_ =	swait.ge [sflag:s3], $0x8000  }
0x22e: {  	[sflag:s3] =	ssyncset.done $0x0  }
0x22f: {  	[sflag:s3] =	ssyncadd.s32 $0xFFFF8000  }
0x230: {  	_ =	swait.ge [sflag:s3], $0x8000  }
0x231: {  	[sflag:s3] =	ssyncset.done $0x0  }
0x232: {  	[sflag:s3] =	ssyncadd.s32 $0xFFFF8000  }
0x233: {  	_ =	swait.ge [sflag:s3], $0x8000  }
0x234: {  	[sflag:s3] =	ssyncset.done $0x0  }
0x235: {  	[sflag:s3] =	ssyncadd.s32 $0xFFFF8000  }
0x236: {  	_ =	swait.ge [sflag:s3], $0x8000  }
0x237: {  	[sflag:s3] =	ssyncset.done $0x0  }
0x238: {  	[sflag:s3] =	ssyncadd.s32 $0xFFFF8000  }
0x239: {  	_ =	swait.ge [sflag:s3], $0x8000  }
0x23a: {  	[sflag:s3] =	ssyncset.done $0x0  }
0x23b: {  	[sflag:s3] =	ssyncadd.s32 $0xFFFF8000  }
0x23c: {  	_ =	swait.ge [sflag:s3], $0x8000  }
0x23d: {  	[sflag:s3] =	ssyncset.done $0x0  }
0x23e: {  	[sflag:s3] =	ssyncadd.s32 $0xFFFF8000  }
0x23f: {  	_ =	swait.ge [sflag:s3], $0x8000  }
0x240: {  	[sflag:s3] =	ssyncset.done $0x0  }
0x241: {  	[sflag:s3] =	ssyncadd.s32 $0xFFFF8000  }
0x242: {  	_ =	swait.ge [sflag:s3], $0x8000  }
0x243: {  	[sflag:s3] =	ssyncset.done $0x0  }
0x244: {  	[sflag:s3] =	ssyncadd.s32 $0xFFFF8000  }
0x245: {  	_ =	swait.ge [sflag:s3], $0x8000  }
0x246: {  	[sflag:s3] =	ssyncset.done $0x0  }
0x247: {  	[sflag:s3] =	ssyncadd.s32 $0xFFFF8000  }
0x248: {  	_ =	swait.ge [sflag:s3], $0x8000  }
0x249: {  	[sflag:s3] =	ssyncset.done $0x0  }
0x24a: {  	[sflag:s3] =	ssyncadd.s32 $0xFFFF8000  }
0x24b: {  	_ =	swait.ge [sflag:s3], $0x8000  }
0x24c: {  	[sflag:s3] =	ssyncset.done $0x0  }
0x24d: {  	[sflag:s3] =	ssyncadd.s32 $0xFFFF8000  }
0x24e: {  	_ =	swait.ge [sflag:s3], $0x8000  }
0x24f: {  	[sflag:s3] =	ssyncset.done $0x0  }
0x250: {  	[sflag:s3] =	ssyncadd.s32 $0xFFFF8000  }
0x251: {  	_ =	swait.ge [sflag:s3], $0x8000  }
0x252: {  	[sflag:s3] =	ssyncset.done $0x0  }
0x253: {  	[sflag:s3] =	ssyncadd.s32 $0xFFFF8000  }
0x254: {  	_ =	swait.ge [sflag:s3], $0x8000  }
0x255: {  	[sflag:s3] =	ssyncset.done $0x0  }
0x256: {  	[sflag:s3] =	ssyncadd.s32 $0xFFFF8000  }
0x257: {  	_ =	swait.ge [sflag:s3], $0x8000  }
0x258: {  	[sflag:s3] =	ssyncset.done $0x0  }
0x259: {  	[sflag:s3] =	ssyncadd.s32 $0xFFFF8000  }
0x25a: {  	_ =	swait.ge [sflag:s3], $0x8000  }
0x25b: {  	[sflag:s3] =	ssyncset.done $0x0  }
0x25c: {  	[sflag:s3] =	ssyncadd.s32 $0xFFFF8000  }
0x25d: {  	_ =	swait.ge [sflag:s3], $0x8000  }
0x25e: {  	[sflag:s3] =	ssyncset.done $0x0  }
0x25f: {  	[sflag:s3] =	ssyncadd.s32 $0xFFFF8000  }
0x260: {  	_ =	swait.ge [sflag:s3], $0x8000  }
0x261: {  	[sflag:s3] =	ssyncset.done $0x0  }
0x262: {  	[sflag:s3] =	ssyncadd.s32 $0xFFFF8000  }
0x263: {  	_ =	swait.ge [sflag:s3], $0x8000  }
0x264: {  	[sflag:s3] =	ssyncset.done $0x0  }
0x265: {  	[sflag:s3] =	ssyncadd.s32 $0xFFFF8000  }
0x266: {  	_ =	swait.ge [sflag:s3], $0x8000  }
0x267: {  	[sflag:s3] =	ssyncset.done $0x0  }
0x268: {  	[sflag:s3] =	ssyncadd.s32 $0xFFFF8000  }
0x269: {  	_ =	swait.ge [sflag:s3], $0x8000  }
0x26a: {  	[sflag:s3] =	ssyncset.done $0x0  }
0x26b: {  	[sflag:s3] =	ssyncadd.s32 $0xFFFF8000  }
0x26c: {  	_ =	sfence.sel $0x180000  }
0x26d: {  	[bflag:$0x0] =	sbarrier.arrive $0xFFFF  }
0x26e: {  	_ =	strace $0x90000047  }
0x26f: {  	s31 =	stileid.u32;
	[bflag:$0x2] =	sbarrier.arrive $0xFFFF  }
0x270: {  	p0 =	sne.s32 s31, $0x0;
	s0 =	rddreg [dreg:$0x3]  }
0x271: {  	s0 =	sadd.s32 @!p0 $0x100000, s0  }
0x272: {  	[sflag:s0] =	ssyncadd.tile.s32 @!p0 $0x1;
	_ =	shalt  }
.Lfunc_end2:
_tile_overlayer_lowered:
.L_overlay_start_2:
0x273: {  	(tag) =	ssettag $0x2  }
0x274: {  	s0 =	rddreg [dreg:$0x0];
	s2 =	stileid.u32  }
0x275: {  	s1 =	rddreg [dreg:$0x1];
	p0 =	sne.s32 s2, $0x0  }
0x276: {  	s3 =	rddreg [dreg:$0x2];
	[bflag:$0x3] =	sbarrier.arrive $0xFFFF;
	s2 =	simm.s32 @!p0 $0x1C06  }
0x277: {  	[timem:s3], [sflag:s2] =	dma.local @!p0 [hbm:s0], s1  }
0x278: {  	s0 =	simm.s32 @!p0 $0x6  }
0x279: {  	_ =	swait.ge @!p0 [sflag:s0], s1  }
0x27a: {  	s1 =	ssub.s32 @!p0 $0x0, s1;
	[sflag:s0] =	ssyncset.done @!p0 $0x0  }
0x27b: {  	[sflag:s0] =	ssyncadd.s32 @!p0 s1  }
0x27c: {  	[bflag:$0x3] =	sbarrier.arrive $0xFFFF  }
0x27d: {  	_ =	shalt  }

</sc_bundles>
